<compile_context>
chip_gen: v7x
topology: tpu7x:2x2x1
jax: 0.10.2.dev20260603
libtpu: 0.0.44.dev20260713+nightly
codegen_flags: <defaults>
</compile_context>

<pallas_src>
from functools import partial

import jax
import jax.numpy as jnp
from jax.experimental import pallas as pl
from jax.experimental.pallas import tpu as pltpu
from jax.experimental.pallas import tpu_sc as plsc

B, S, D = 1, 2048, 768
H, Dh = 12, 64
E, K = 8, 2
DFF = 1536
EPS = 1e-6
T = B * S
BLK = 256
QBLK = 512
HP = H // 2

f32 = jnp.float32
bf16 = jnp.bfloat16


def _qkv_kernel(x_ref, g_ref, wq_ref, wk_ref, wv_ref, qkv_ref):
    x = x_ref[...]
    ms = jnp.mean(x * x, axis=-1, keepdims=True)
    h = (x * jax.lax.rsqrt(ms + EPS) * g_ref[...]).astype(bf16)
    for s, w_ref in enumerate((wq_ref, wk_ref, wv_ref)):
        w = w_ref[...].astype(bf16)
        qkv_ref[:, s * D:(s + 1) * D] = jnp.dot(
            h, w, preferred_element_type=f32).astype(bf16)


def _attn_kernel(q_ref, k_ref, v_ref, o_ref, m_ref, oacc_ref):
    i = pl.program_id(1)
    tri = (jax.lax.broadcasted_iota(jnp.int32, (QBLK, QBLK), 1)
           <= jax.lax.broadcasted_iota(jnp.int32, (QBLK, QBLK), 0))
    scale = jnp.float32(1.0) / jnp.sqrt(jnp.float32(Dh))
    ones = jnp.ones((QBLK, Dh), bf16)
    nch = S // QBLK
    for sub in range(2):
        cs = slice(sub * Dh, (sub + 1) * Dh)
        q = (q_ref[:, cs].astype(f32) * scale).astype(bf16)
        kc = k_ref[pl.ds(i * QBLK, QBLK), cs]
        vc = v_ref[pl.ds(i * QBLK, QBLK), cs]
        s = jax.lax.dot_general(q, kc, (((1,), (1,)), ((), ())),
                                preferred_element_type=f32).astype(bf16)
        s = jnp.where(tri, s, jnp.asarray(-1e9, bf16))
        mj = jnp.max(s, axis=-1, keepdims=True).astype(f32)
        m_ref[...] = mj
        p = jnp.exp(s - mj.astype(bf16))
        vext = jnp.concatenate([vc, ones], axis=1)
        oacc_ref[...] = jnp.dot(p, vext, preferred_element_type=f32)
        for j in range(nch - 1):
            @pl.when(j < i)
            def _():
                kc = k_ref[j * QBLK:(j + 1) * QBLK, cs]
                vc = v_ref[j * QBLK:(j + 1) * QBLK, cs]
                s = jax.lax.dot_general(q, kc, (((1,), (1,)), ((), ())),
                                        preferred_element_type=f32
                                        ).astype(bf16)
                mj = jnp.max(s, axis=-1, keepdims=True).astype(f32)
                mnew = jnp.maximum(m_ref[...], mj)
                corr = jnp.exp(m_ref[...] - mnew)
                p = jnp.exp(s - mnew.astype(bf16))
                vext = jnp.concatenate([vc, ones], axis=1)
                oacc_ref[...] = (oacc_ref[...] * corr
                                 + jnp.dot(p, vext,
                                           preferred_element_type=f32))
                m_ref[...] = mnew
        acc = oacc_ref[...]
        o = acc[:, :Dh] * (jnp.float32(1.0) / acc[:, Dh:Dh + 1])
        o_ref[:, cs] = o.astype(bf16)


def _router_kernel(x_ref, a_ref, wo_ref, g_ref, wr_ref,
                   x2_ref, h2_ref, sc_ref, idx_ref, sp_ref):
    i = pl.program_id(0)
    a = jnp.dot(a_ref[...], wo_ref[...].astype(bf16),
                preferred_element_type=f32)
    x2 = x_ref[...] + a
    x2_ref[...] = x2
    ms = jnp.mean(x2 * x2, axis=-1, keepdims=True)
    h2 = x2 * jax.lax.rsqrt(ms + EPS) * g_ref[...]
    h2_ref[...] = h2.astype(bf16)
    logits = jnp.dot(h2, wr_ref[...], preferred_element_type=f32)
    m = jnp.max(logits, axis=-1, keepdims=True)
    ex = jnp.exp(logits - m)
    probs = ex / jnp.sum(ex, axis=-1, keepdims=True)
    ecols = jax.lax.broadcasted_iota(jnp.int32, (BLK, E), 1)
    i1 = jnp.argmax(probs, axis=-1).astype(jnp.int32)
    p1 = jnp.max(probs, axis=-1, keepdims=True)
    masked = jnp.where(ecols == i1[:, None], jnp.float32(-1.0), probs)
    i2 = jnp.argmax(masked, axis=-1).astype(jnp.int32)
    p2 = jnp.max(masked, axis=-1, keepdims=True)
    sc_ref[...] = jnp.concatenate([p1, p2], axis=1)
    idx_ref[...] = jnp.concatenate([i1[:, None], i2[:, None]], axis=1)
    sp_part = jnp.sum(probs, axis=0, keepdims=True)

    @pl.when(i == 0)
    def _():
        sp_ref[...] = jnp.zeros_like(sp_ref)

    sp_ref[:, :E] += sp_part


def _sc_stats(idx_flat, sp):
    mesh = plsc.ScalarSubcoreMesh(axis_name="core", num_cores=2)

    @partial(pl.kernel, out_type=(jax.ShapeDtypeStruct((16,), f32),
                                  jax.ShapeDtypeStruct((16,), f32)),
             mesh=mesh,
             scratch_types=[pltpu.SMEM((T * K,), jnp.int32),
                            pltpu.SMEM((16,), f32),
                            pltpu.SMEM((16,), f32),
                            pltpu.SMEM((16,), f32),
                            pltpu.SemaphoreType.DMA])
    def stats_kernel(idx_hbm, sp_hbm, cnt_out, loss_out,
                     ibuf, cacc, spbuf, lbuf, sem):
        core = jax.lax.axis_index("core")

        @pl.when(core == 0)
        def _():
            pltpu.async_copy(idx_hbm, ibuf, sem).wait()
            pltpu.async_copy(sp_hbm, spbuf, sem).wait()

            @pl.loop(0, 16)
            def _(z):
                cacc[z] = jnp.float32(0.0)

            @pl.loop(0, T * K)
            def _(t):
                cacc[ibuf[t]] += jnp.float32(1.0)

            lbuf[0] = jnp.float32(0.0)

            @pl.loop(0, E)
            def _(k):
                lbuf[0] += cacc[k] * spbuf[k]

            lbuf[0] = lbuf[0] * jnp.float32(E / (T * K * T))
            pltpu.async_copy(cacc, cnt_out, sem).wait()
            pltpu.async_copy(lbuf, loss_out, sem).wait()

    return stats_kernel(idx_flat, sp)


def _moe_kernel(h2_ref, w1_ref, b1_ref, w2_ref, b2_ref, idx_ref,
                x2_ref, sc_ref, o_ref, eo_ref):
    e = pl.program_id(0)
    w1b = w1_ref[0].astype(bf16)
    w2b = w2_ref[0].astype(bf16)
    nq = 4
    for quarter in range(nq):
        lo, hi = quarter * (T // nq), (quarter + 1) * (T // nq)
        h2 = h2_ref[lo:hi, :]
        hh = (jnp.dot(h2, w1b, preferred_element_type=f32)
              + b1_ref[0]).astype(bf16)
        hh = jax.nn.gelu(hh)
        oute = (jnp.dot(hh, w2b, preferred_element_type=f32)
                + b2_ref[0]).astype(bf16)
        m0 = idx_ref[lo:hi, 0:1] == e
        m1 = idx_ref[lo:hi, 1:2] == e
        eo_ref[0, lo:hi, :] = jnp.where(m0, oute, eo_ref[0, lo:hi, :])
        eo_ref[1, lo:hi, :] = jnp.where(m1, oute, eo_ref[1, lo:hi, :])

    @pl.when(e == E - 1)
    def _():
        half_t = T // 2
        for c in range(T // BLK):
            r0, r1 = c * BLK, (c + 1) * BLK
            t0, t1 = c * (BLK // 2), (c + 1) * (BLK // 2)
            sc = sc_ref[r0:r1, :]
            a = jnp.concatenate([eo_ref[0, t0:t1][:, None, :],
                                 eo_ref[1, t0:t1][:, None, :]],
                                axis=1).reshape(BLK, D).astype(f32)
            b = jnp.concatenate([eo_ref[0, half_t + t0:half_t + t1][:, None, :],
                                 eo_ref[1, half_t + t0:half_t + t1][:, None, :]],
                                axis=1).reshape(BLK, D).astype(f32)
            o_ref[r0:r1, :] = (x2_ref[r0:r1, :] + sc[:, 0:1] * a
                               + sc[:, 1:2] * b)


def kernel(x, g_attn, wq, wk, wv, wo, g_mlp, w_router, w1, b1, w2, b2):
    x2d = x.reshape(T, D)

    qkv = pl.pallas_call(
        _qkv_kernel,
        grid=(T // BLK,),
        in_specs=[
            pl.BlockSpec((BLK, D), lambda i: (i, 0)),
            pl.BlockSpec((1, D), lambda i: (0, 0)),
            pl.BlockSpec((D, D), lambda i: (0, 0)),
            pl.BlockSpec((D, D), lambda i: (0, 0)),
            pl.BlockSpec((D, D), lambda i: (0, 0)),
        ],
        out_specs=pl.BlockSpec((BLK, 3 * D), lambda i: (i, 0)),
        out_shape=jax.ShapeDtypeStruct((T, 3 * D), bf16),
    )(x2d, g_attn.reshape(1, D), wq, wk, wv)

    attn = pl.pallas_call(
        _attn_kernel,
        grid=(HP, S // QBLK),
        in_specs=[
            pl.BlockSpec((QBLK, 2 * Dh), lambda h, i: (i, h)),
            pl.BlockSpec((S, 2 * Dh), lambda h, i: (0, HP + h)),
            pl.BlockSpec((S, 2 * Dh), lambda h, i: (0, 2 * HP + h)),
        ],
        out_specs=pl.BlockSpec((QBLK, 2 * Dh), lambda h, i: (i, h)),
        out_shape=jax.ShapeDtypeStruct((T, D), bf16),
        scratch_shapes=[
            pltpu.VMEM((QBLK, 1), f32),
            pltpu.VMEM((QBLK, 2 * Dh), f32),
        ],
    )(qkv, qkv, qkv)

    x2, h2, sc, idx, sp = pl.pallas_call(
        _router_kernel,
        grid=(T // BLK,),
        in_specs=[
            pl.BlockSpec((BLK, D), lambda i: (i, 0)),
            pl.BlockSpec((BLK, D), lambda i: (i, 0)),
            pl.BlockSpec((D, D), lambda i: (0, 0)),
            pl.BlockSpec((1, D), lambda i: (0, 0)),
            pl.BlockSpec((D, E), lambda i: (0, 0)),
        ],
        out_specs=[
            pl.BlockSpec((BLK, D), lambda i: (i, 0)),
            pl.BlockSpec((BLK, D), lambda i: (i, 0)),
            pl.BlockSpec((BLK, K), lambda i: (i, 0)),
            pl.BlockSpec((BLK, K), lambda i: (i, 0)),
            pl.BlockSpec((1, 16), lambda i: (0, 0)),
        ],
        out_shape=[
            jax.ShapeDtypeStruct((T, D), f32),
            jax.ShapeDtypeStruct((T, D), bf16),
            jax.ShapeDtypeStruct((T, K), f32),
            jax.ShapeDtypeStruct((T, K), jnp.int32),
            jax.ShapeDtypeStruct((1, 16), f32),
        ],
    )(x2d, attn, wo, g_mlp.reshape(1, D), w_router)

    cnt16, loss16 = _sc_stats(idx.reshape(T * K), sp.reshape(16))

    final = pl.pallas_call(
        _moe_kernel,
        grid=(E,),
        in_specs=[
            pl.BlockSpec((T, D), lambda e: (0, 0)),
            pl.BlockSpec((1, D, DFF), lambda e: (e, 0, 0)),
            pl.BlockSpec((1, 1, DFF), lambda e: (e, 0, 0)),
            pl.BlockSpec((1, DFF, D), lambda e: (e, 0, 0)),
            pl.BlockSpec((1, 1, D), lambda e: (e, 0, 0)),
            pl.BlockSpec((T, K), lambda e: (0, 0)),
            pl.BlockSpec((T, D), lambda e: (0, 0)),
            pl.BlockSpec((T, K), lambda e: (0, 0)),
        ],
        out_specs=pl.BlockSpec((T, D), lambda e: (0, 0)),
        out_shape=jax.ShapeDtypeStruct((T, D), f32),
        scratch_shapes=[pltpu.VMEM((K, T, D), bf16)],
        compiler_params=pltpu.CompilerParams(
            vmem_limit_bytes=100 * 1024 * 1024),
    )(h2, w1, b1.reshape(E, 1, DFF), w2, b2.reshape(E, 1, D), idx, x2, sc)

    return final.reshape(B, S, D), loss16[0].reshape(()), cnt16[:E]

# --- scband reference (transcript-rebuilt; emitter-appended) ---
"""Pipeline reference for scband-praxis-block-58128087384379 (READ-ONLY COPY).

The authoritative reference and input builder live on the scoring server;
editing this copy changes nothing except your own understanding.
"""

import jax, jax.numpy as jnp
import numpy as np

B, S, D = 1, 2048, 768
H, Dh = 12, 64
E, K = 8, 2
DFF = 1536
EPS = 1e-6
TEMP = 1.0


def setup_inputs(seed: int = 0) -> dict:
    key = jax.random.key(seed)
    ks = jax.random.split(key, 12)
    sc = 0.02
    return {
        "x": jax.random.normal(ks[0], (B, S, D), dtype=jnp.float32),
        "g_attn": jnp.ones((D,), dtype=jnp.float32),
        "wq": jax.random.normal(ks[1], (D, D), dtype=jnp.float32) * sc,
        "wk": jax.random.normal(ks[2], (D, D), dtype=jnp.float32) * sc,
        "wv": jax.random.normal(ks[3], (D, D), dtype=jnp.float32) * sc,
        "wo": jax.random.normal(ks[4], (D, D), dtype=jnp.float32) * sc,
        "g_mlp": jnp.ones((D,), dtype=jnp.float32),
        "w_router": jax.random.normal(ks[5], (D, E), dtype=jnp.float32) * sc,
        "w1": jax.random.normal(ks[6], (E, D, DFF), dtype=jnp.float32) * sc,
        "b1": jnp.zeros((E, DFF), dtype=jnp.float32),
        "w2": jax.random.normal(ks[7], (E, DFF, D), dtype=jnp.float32) * sc,
        "b2": jnp.zeros((E, D), dtype=jnp.float32),
    }


def _rmsnorm(x, g, eps=EPS):
    ms = jnp.mean(x * x, axis=-1, keepdims=True)
    return x * jax.lax.rsqrt(ms + eps) * g


def _mha(h, wq, wk, wv, wo):
    q = (h @ wq).reshape(B, S, H, Dh).transpose(0, 2, 1, 3)
    k = (h @ wk).reshape(B, S, H, Dh).transpose(0, 2, 1, 3)
    v = (h @ wv).reshape(B, S, H, Dh).transpose(0, 2, 1, 3)
    scores = jnp.einsum("bhqd,bhkd->bhqk", q, k) / jnp.sqrt(jnp.float32(Dh))
    causal = jnp.tril(jnp.ones((S, S), dtype=bool))
    scores = jnp.where(causal[None, None, :, :], scores, jnp.float32(-1e9))
    attn = jax.nn.softmax(scores, axis=-1)
    out = jnp.einsum("bhqk,bhkd->bhqd", attn, v)
    out = out.transpose(0, 2, 1, 3).reshape(B, S, D)
    return out @ wo


def reference(x, g_attn, wq, wk, wv, wo, g_mlp, w_router, w1, b1, w2, b2):
    # attention sub-block
    residual = x
    h = _rmsnorm(x, g_attn)
    a = _mha(h, wq, wk, wv, wo)
    x = residual + a
    # MoE sub-block
    residual = x
    h = _rmsnorm(x, g_mlp)
    flat_x = h.reshape(-1, D)
    T = flat_x.shape[0]
    # router
    logits = flat_x @ w_router
    probs = jax.nn.softmax(logits / TEMP, axis=-1)
    top_k_scores, top_k_indices = jax.lax.top_k(probs, K)  # [T, K]
    one_hot = jax.nn.one_hot(top_k_indices, E, dtype=jnp.float32)  # [T, K, E]
    expert_counts = one_hot.sum(axis=(0, 1))
    density = one_hot.mean(axis=(0, 1))
    mean_probs = probs.mean(axis=0)
    balancing_loss = jnp.float32(E) * jnp.sum(density * mean_probs)
    # experts: compute every expert on all tokens, then gather (dense dispatch)
    hh = jnp.einsum("td,edf->etf", flat_x, w1) + b1[:, None, :]
    hh = jax.nn.gelu(hh)
    all_out = jnp.einsum("etf,efd->etd", hh, w2) + b2[:, None, :]  # [E, T, D]
    rows = jnp.arange(T)
    outs = [all_out[top_k_indices[:, i], rows] for i in range(K)]
    expert_outputs = jnp.stack(outs, axis=1)  # [T, K, D] ~ outputs[:, i][mask] = expert_output
    expert_outputs = expert_outputs.reshape(B, S, K, D)
    # faithful to torch .view(k, B, S, D) memory-reinterpret in the original code
    output = expert_outputs.reshape(K, B, S, D)
    tks = top_k_scores.reshape(B, S, K)
    weighted_output = output * jnp.transpose(tks, (2, 0, 1))[..., None]
    x = residual + weighted_output.sum(axis=0)
    return (x, balancing_loss, expert_counts)


if False:  # reference __main__ guard neutralized (emitter)
    out = reference(**setup_inputs())
    print(out[0].shape, out[1], out[2])

if __name__ == "__main__":
    import jax
    _d = setup_inputs()
    print(jax.jit(kernel)(*tuple(_d.values())))

</pallas_src>

<mosaic_0001>
#map = affine_map<(d0) -> (0)>
module attributes {stable_mosaic.version = 14 : i64} {
  func.func @stats_kernel(%arg0: i32, %arg1: memref<4096xi32, #tpu.memory_space<hbm>>, %arg2: memref<16xf32, #tpu.memory_space<hbm>>, %arg3: memref<16xf32, #tpu.memory_space<hbm>>, %arg4: memref<16xf32, #tpu.memory_space<hbm>>, %arg5: memref<4096xi32, #tpu.memory_space<smem>>, %arg6: memref<16xf32, #tpu.memory_space<smem>>, %arg7: memref<16xf32, #tpu.memory_space<smem>>, %arg8: memref<16xf32, #tpu.memory_space<smem>>, %arg9: memref<!tpu.dma_semaphore, #tpu.memory_space<semaphore_mem>>) attributes {dimension_semantics = [#tpu.dimension_semantics<core_parallel>], iteration_bounds = array<i64: 2>, scalar_prefetch = 0 : i64, scratch_operands = 5 : i64, tpu.core_type = #tpu.core_type<sc_scalar_subcore>, window_params = [{transform_indices = #map}, {transform_indices = #map}, {transform_indices = #map}, {transform_indices = #map}]} {
    %eq3A = arith.constant 0 : i32
    %eq3A_0 = arith.cmpi eq, %arg0, %eq3A : i32
    %convert_element_type3A = arith.extui %eq3A_0 : i1 to i32
    %cond3A = arith.constant 0 : i32
    %cond3A_1 = arith.cmpi ne, %convert_element_type3A, %cond3A : i32
    scf.if %cond3A_1 {
      tpu.enqueue_dma source(%arg1 : memref<4096xi32, #tpu.memory_space<hbm>>) target(%arg5 : memref<4096xi32, #tpu.memory_space<smem>>) target_semaphore(%arg9 : memref<!tpu.dma_semaphore, #tpu.memory_space<semaphore_mem>>)
      tpu.wait_dma2 semaphore(%arg9 : memref<!tpu.dma_semaphore, #tpu.memory_space<semaphore_mem>>) src(%arg1 : memref<4096xi32, #tpu.memory_space<hbm>>) dst(%arg5 : memref<4096xi32, #tpu.memory_space<smem>>)
      tpu.enqueue_dma source(%arg2 : memref<16xf32, #tpu.memory_space<hbm>>) target(%arg7 : memref<16xf32, #tpu.memory_space<smem>>) target_semaphore(%arg9 : memref<!tpu.dma_semaphore, #tpu.memory_space<semaphore_mem>>)
      tpu.wait_dma2 semaphore(%arg9 : memref<!tpu.dma_semaphore, #tpu.memory_space<semaphore_mem>>) src(%arg2 : memref<16xf32, #tpu.memory_space<hbm>>) dst(%arg7 : memref<16xf32, #tpu.memory_space<smem>>)
      %scan3A = arith.constant 0 : i32
      %scan3A_2 = arith.constant 16 : i32
      %scan3A_3 = arith.addi %scan3A, %scan3A_2 : i32
      %scan3A_4 = arith.constant 1 : i32
      scf.for %scan3A_25 = %scan3A to %scan3A_3 step %scan3A_4  : i32 {
        %mul3A_26 = arith.constant 1 : i32
        %mul3A_27 = arith.muli %scan3A_25, %mul3A_26 : i32
        %add3A = arith.constant 0 : i32
        %add3A_28 = arith.addi %add3A, %mul3A_27 : i32
        %swap3A_29 = arith.constant 0.000000e+00 : f32
        %swap3A_30 = arith.index_cast %add3A_28 : i32 to index
        %swap3A_31 = memref.load %arg6[%swap3A_30] : memref<16xf32, #tpu.memory_space<smem>>
        memref.store %swap3A_29, %arg6[%swap3A_30] : memref<16xf32, #tpu.memory_space<smem>>
      }
      %scan3A_5 = arith.constant 16 : i32
      %scan3A_6 = arith.constant 0 : i32
      %scan3A_7 = arith.constant 4096 : i32
      %scan3A_8 = arith.addi %scan3A_6, %scan3A_7 : i32
      %scan3A_9 = arith.constant 1 : i32
      scf.for %scan3A_25 = %scan3A_6 to %scan3A_8 step %scan3A_9  : i32 {
        %mul3A_26 = arith.constant 1 : i32
        %mul3A_27 = arith.muli %scan3A_25, %mul3A_26 : i32
        %add3A = arith.constant 0 : i32
        %add3A_28 = arith.addi %add3A, %mul3A_27 : i32
        %get3A_29 = arith.index_cast %add3A_28 : i32 to index
        %get3A_30 = memref.load %arg5[%get3A_29] : memref<4096xi32, #tpu.memory_space<smem>>
        %get3A_31 = arith.index_cast %get3A_30 : i32 to index
        %get3A_32 = memref.load %arg6[%get3A_31] : memref<16xf32, #tpu.memory_space<smem>>
        %add3A_33 = arith.constant 1.000000e+00 : f32
        %add3A_34 = arith.addf %get3A_32, %add3A_33 : f32
        %swap3A_35 = arith.index_cast %get3A_30 : i32 to index
        %swap3A_36 = memref.load %arg6[%swap3A_35] : memref<16xf32, #tpu.memory_space<smem>>
        memref.store %add3A_34, %arg6[%swap3A_35] : memref<16xf32, #tpu.memory_space<smem>>
      }
      %scan3A_10 = arith.constant 4096 : i32
      %swap3A = arith.constant 0.000000e+00 : f32
      %swap3A_11 = arith.constant 0 : i32
      %swap3A_12 = arith.index_cast %swap3A_11 : i32 to index
      %swap3A_13 = memref.load %arg8[%swap3A_12] : memref<16xf32, #tpu.memory_space<smem>>
      memref.store %swap3A, %arg8[%swap3A_12] : memref<16xf32, #tpu.memory_space<smem>>
      %scan3A_14 = arith.constant 0 : i32
      %scan3A_15 = arith.constant 8 : i32
      %scan3A_16 = arith.addi %scan3A_14, %scan3A_15 : i32
      %scan3A_17 = arith.constant 1 : i32
      scf.for %scan3A_25 = %scan3A_14 to %scan3A_16 step %scan3A_17  : i32 {
        %mul3A_26 = arith.constant 1 : i32
        %mul3A_27 = arith.muli %scan3A_25, %mul3A_26 : i32
        %add3A = arith.constant 0 : i32
        %add3A_28 = arith.addi %add3A, %mul3A_27 : i32
        %get3A_29 = arith.constant 0 : i32
        %get3A_30 = arith.index_cast %get3A_29 : i32 to index
        %get3A_31 = memref.load %arg8[%get3A_30] : memref<16xf32, #tpu.memory_space<smem>>
        %get3A_32 = arith.index_cast %add3A_28 : i32 to index
        %get3A_33 = memref.load %arg6[%get3A_32] : memref<16xf32, #tpu.memory_space<smem>>
        %get3A_34 = arith.index_cast %add3A_28 : i32 to index
        %get3A_35 = memref.load %arg7[%get3A_34] : memref<16xf32, #tpu.memory_space<smem>>
        %mul3A_36 = arith.mulf %get3A_33, %get3A_35 : f32
        %add3A_37 = arith.addf %get3A_31, %mul3A_36 : f32
        %swap3A_38 = arith.constant 0 : i32
        %swap3A_39 = arith.index_cast %swap3A_38 : i32 to index
        %swap3A_40 = memref.load %arg8[%swap3A_39] : memref<16xf32, #tpu.memory_space<smem>>
        memref.store %add3A_37, %arg8[%swap3A_39] : memref<16xf32, #tpu.memory_space<smem>>
      }
      %scan3A_18 = arith.constant 8 : i32
      %get3A = arith.constant 0 : i32
      %get3A_19 = arith.index_cast %get3A : i32 to index
      %get3A_20 = memref.load %arg8[%get3A_19] : memref<16xf32, #tpu.memory_space<smem>>
      %mul3A = arith.constant 9.53674316E-7 : f32
      %mul3A_21 = arith.mulf %get3A_20, %mul3A : f32
      %swap3A_22 = arith.constant 0 : i32
      %swap3A_23 = arith.index_cast %swap3A_22 : i32 to index
      %swap3A_24 = memref.load %arg8[%swap3A_23] : memref<16xf32, #tpu.memory_space<smem>>
      memref.store %mul3A_21, %arg8[%swap3A_23] : memref<16xf32, #tpu.memory_space<smem>>
      tpu.enqueue_dma source(%arg6 : memref<16xf32, #tpu.memory_space<smem>>) target(%arg3 : memref<16xf32, #tpu.memory_space<hbm>>) target_semaphore(%arg9 : memref<!tpu.dma_semaphore, #tpu.memory_space<semaphore_mem>>)
      tpu.wait_dma2 semaphore(%arg9 : memref<!tpu.dma_semaphore, #tpu.memory_space<semaphore_mem>>) src(%arg6 : memref<16xf32, #tpu.memory_space<smem>>) dst(%arg3 : memref<16xf32, #tpu.memory_space<hbm>>)
      tpu.enqueue_dma source(%arg8 : memref<16xf32, #tpu.memory_space<smem>>) target(%arg4 : memref<16xf32, #tpu.memory_space<hbm>>) target_semaphore(%arg9 : memref<!tpu.dma_semaphore, #tpu.memory_space<semaphore_mem>>)
      tpu.wait_dma2 semaphore(%arg9 : memref<!tpu.dma_semaphore, #tpu.memory_space<semaphore_mem>>) src(%arg8 : memref<16xf32, #tpu.memory_space<smem>>) dst(%arg4 : memref<16xf32, #tpu.memory_space<hbm>>)
    } else {
    }
    return
  }
}

module attributes {stable_mosaic.version = 14 : i64} {
  func.func @_attn_kernel(%arg0: i32, %arg1: i32, %arg2: memref<512x128xbf16, #tpu.memory_space<vmem>>, %arg3: memref<2048x128xbf16, #tpu.memory_space<vmem>>, %arg4: memref<2048x128xbf16, #tpu.memory_space<vmem>>, %arg5: memref<512x128xbf16, #tpu.memory_space<vmem>>, %arg6: memref<512x1xf32, #tpu.memory_space<vmem>>, %arg7: memref<512x128xf32, #tpu.memory_space<vmem>>) attributes {dimension_semantics = [#tpu.dimension_semantics<arbitrary>, #tpu.dimension_semantics<arbitrary>], iteration_bounds = array<i64: 6, 4>, scalar_prefetch = 0 : i64, scratch_operands = 2 : i64, tpu.core_type = #tpu.core_type<tc>, window_params = [{transform_indices = @transform_0, window_bounds = array<i64: 512, 128>}, {transform_indices = @transform_1, window_bounds = array<i64: 2048, 128>}, {transform_indices = @transform_2, window_bounds = array<i64: 2048, 128>}, {transform_indices = @transform_3, window_bounds = array<i64: 512, 128>}]} {
    %iota3A = tpu.iota {dimensions = array<i32: 1>} : vector<512x512xi32>
    %iota3A_0 = tpu.iota {dimensions = array<i32: 0>} : vector<512x512xi32>
    %le3A = arith.cmpi sle, %iota3A, %iota3A_0 : vector<512x512xi32>
    %sqrt3A = arith.constant 6.400000e+01 : f32
    %sqrt3A_1 = math.sqrt %sqrt3A : f32
    %div3A = arith.constant 1.000000e+00 : f32
    %div3A_2 = arith.divf %div3A, %sqrt3A_1 : f32
    %broadcast_in_dim3A = arith.constant 1.000000e+00 : bf16
    %broadcast_in_dim3A_3 = vector.broadcast %broadcast_in_dim3A : bf16 to vector<512x64xbf16>
    %get3A = arith.constant 0 : index
    %get3A_4 = arith.constant 0 : index
    %get3A_5 = vector.load %arg2[%get3A, %get3A_4] : memref<512x128xbf16, #tpu.memory_space<vmem>>, vector<512x64xbf16>
    %convert_element_type3A = arith.extf %get3A_5 : vector<512x64xbf16> to vector<512x64xf32>
    %mul3A = vector.broadcast %div3A_2 : f32 to vector<512x64xf32>
    %mul3A_6 = arith.mulf %convert_element_type3A, %mul3A : vector<512x64xf32>
    %convert_element_type3A_7 = arith.truncf %mul3A_6 : vector<512x64xf32> to vector<512x64xbf16>
    %mul3A_8 = arith.constant 512 : i32
    %mul3A_9 = arith.muli %arg1, %mul3A_8 : i32
    %get3A_10 = arith.index_cast %mul3A_9 : i32 to index
    %get3A_11 = arith.constant 0 : index
    %get3A_12 = vector.load %arg3[%get3A_10, %get3A_11] : memref<2048x128xbf16, #tpu.memory_space<vmem>>, vector<512x64xbf16>
    %mul3A_13 = arith.constant 512 : i32
    %mul3A_14 = arith.muli %arg1, %mul3A_13 : i32
    %get3A_15 = arith.index_cast %mul3A_14 : i32 to index
    %get3A_16 = arith.constant 0 : index
    %get3A_17 = vector.load %arg4[%get3A_15, %get3A_16] : memref<2048x128xbf16, #tpu.memory_space<vmem>>, vector<512x64xbf16>
    %dot_general3A = arith.constant dense<0.000000e+00> : vector<512x512xf32>
    %dot_general3A_18 = tpu.matmul %convert_element_type3A_7, %get3A_12, %dot_general3A {dimension_numbers = #tpu.dot_dimension_numbers<[1], [1], [0], [0], [0, 0, 1, 0], [], []>, transpose_lhs_hint = false} : vector<512x64xbf16>, vector<512x64xbf16>, vector<512x512xf32> -> vector<512x512xf32>
    %convert_element_type3A_19 = arith.truncf %dot_general3A_18 : vector<512x512xf32> to vector<512x512xbf16>
    %jit3A = arith.constant -9.982440e+08 : bf16
    %broadcast_in_dim3A_20 = vector.broadcast %jit3A : bf16 to vector<512x512xbf16>
    %select_n3A = arith.select %le3A, %convert_element_type3A_19, %broadcast_in_dim3A_20 : vector<512x512xi1>, vector<512x512xbf16>
    %reduce_max3A = arith.constant dense<0xFF80> : vector<512xbf16>
    %reduce_max3A_21 = vector.multi_reduction <maximumf>, %select_n3A, %reduce_max3A [1] : vector<512x512xbf16> to vector<512xbf16>
    %broadcast_in_dim3A_22 = vector.shape_cast %reduce_max3A_21 : vector<512xbf16> to vector<512x1xbf16>
    %convert_element_type3A_23 = arith.extf %broadcast_in_dim3A_22 : vector<512x1xbf16> to vector<512x1xf32>
    %swap3A = arith.constant 0 : index
    %swap3A_24 = arith.constant 0 : index
    %swap3A_25 = vector.load %arg6[%swap3A, %swap3A_24] : memref<512x1xf32, #tpu.memory_space<vmem>>, vector<512x1xf32>
    tpu.vector_store %arg6[%swap3A, %swap3A_24], %convert_element_type3A_23 {strides = array<i32>} : memref<512x1xf32, #tpu.memory_space<vmem>>, vector<512x1xf32>,
    %convert_element_type3A_26 = arith.truncf %convert_element_type3A_23 : vector<512x1xf32> to vector<512x1xbf16>
    %sub3A = vector.broadcast %convert_element_type3A_26 : vector<512x1xbf16> to vector<512x512xbf16>
    %sub3A_27 = arith.subf %select_n3A, %sub3A : vector<512x512xbf16>
    %exp3A = math.exp %sub3A_27 : vector<512x512xbf16>
    %concatenate3A = tpu.concatenate %get3A_17, %broadcast_in_dim3A_3 in 1 : vector<512x64xbf16>, vector<512x64xbf16> -> vector<512x128xbf16>
    %dot_general3A_28 = arith.constant dense<0.000000e+00> : vector<512x128xf32>
    %dot_general3A_29 = tpu.matmul %exp3A, %concatenate3A, %dot_general3A_28 {dimension_numbers = #tpu.dot_dimension_numbers<[1], [0], [0], [1], [0, 0, 1, 1], [], []>, transpose_lhs_hint = false} : vector<512x512xbf16>, vector<512x128xbf16>, vector<512x128xf32> -> vector<512x128xf32>
    %swap3A_30 = arith.constant 0 : index
    %swap3A_31 = arith.constant 0 : index
    %swap3A_32 = vector.load %arg7[%swap3A_30, %swap3A_31] : memref<512x128xf32, #tpu.memory_space<vmem>>, vector<512x128xf32>
    tpu.vector_store %arg7[%swap3A_30, %swap3A_31], %dot_general3A_29 {strides = array<i32>} : memref<512x128xf32, #tpu.memory_space<vmem>>, vector<512x128xf32>,
    %gt3A = arith.constant 0 : i32
    %gt3A_33 = arith.cmpi sgt, %arg1, %gt3A : i32
    %convert_element_type3A_34 = arith.extui %gt3A_33 : i1 to i32
    %cond3A = arith.constant 0 : i32
    %cond3A_35 = arith.cmpi ne, %convert_element_type3A_34, %cond3A : i32
    scf.if %cond3A_35 {
      %get3A_128 = arith.constant 0 : index
      %get3A_129 = arith.constant 0 : index
      %get3A_130 = vector.load %arg3[%get3A_128, %get3A_129] : memref<2048x128xbf16, #tpu.memory_space<vmem>>, vector<512x64xbf16>
      %get3A_131 = arith.constant 0 : index
      %get3A_132 = arith.constant 0 : index
      %get3A_133 = vector.load %arg4[%get3A_131, %get3A_132] : memref<2048x128xbf16, #tpu.memory_space<vmem>>, vector<512x64xbf16>
      %dot_general3A_134 = arith.constant dense<0.000000e+00> : vector<512x512xf32>
      %dot_general3A_135 = tpu.matmul %convert_element_type3A_7, %get3A_130, %dot_general3A_134 {dimension_numbers = #tpu.dot_dimension_numbers<[1], [1], [0], [0], [0, 0, 1, 0], [], []>, transpose_lhs_hint = false} : vector<512x64xbf16>, vector<512x64xbf16>, vector<512x512xf32> -> vector<512x512xf32>
      %convert_element_type3A_136 = arith.truncf %dot_general3A_135 : vector<512x512xf32> to vector<512x512xbf16>
      %reduce_max3A_137 = arith.constant dense<0xFF80> : vector<512xbf16>
      %reduce_max3A_138 = vector.multi_reduction <maximumf>, %convert_element_type3A_136, %reduce_max3A_137 [1] : vector<512x512xbf16> to vector<512xbf16>
      %broadcast_in_dim3A_139 = vector.shape_cast %reduce_max3A_138 : vector<512xbf16> to vector<512x1xbf16>
      %convert_element_type3A_140 = arith.extf %broadcast_in_dim3A_139 : vector<512x1xbf16> to vector<512x1xf32>
      %get3A_141 = arith.constant 0 : index
      %get3A_142 = arith.constant 0 : index
      %get3A_143 = vector.load %arg6[%get3A_141, %get3A_142] : memref<512x1xf32, #tpu.memory_space<vmem>>, vector<512x1xf32>
      %max3A = arith.maximumf %get3A_143, %convert_element_type3A_140 : vector<512x1xf32>
      %get3A_144 = arith.constant 0 : index
      %get3A_145 = arith.constant 0 : index
      %get3A_146 = vector.load %arg6[%get3A_144, %get3A_145] : memref<512x1xf32, #tpu.memory_space<vmem>>, vector<512x1xf32>
      %sub3A_147 = arith.subf %get3A_146, %max3A : vector<512x1xf32>
      %exp3A_148 = math.exp %sub3A_147 : vector<512x1xf32>
      %convert_element_type3A_149 = arith.truncf %max3A : vector<512x1xf32> to vector<512x1xbf16>
      %sub3A_150 = vector.broadcast %convert_element_type3A_149 : vector<512x1xbf16> to vector<512x512xbf16>
      %sub3A_151 = arith.subf %convert_element_type3A_136, %sub3A_150 : vector<512x512xbf16>
      %exp3A_152 = math.exp %sub3A_151 : vector<512x512xbf16>
      %concatenate3A_153 = tpu.concatenate %get3A_133, %broadcast_in_dim3A_3 in 1 : vector<512x64xbf16>, vector<512x64xbf16> -> vector<512x128xbf16>
      %get3A_154 = arith.constant 0 : index
      %get3A_155 = arith.constant 0 : index
      %get3A_156 = vector.load %arg7[%get3A_154, %get3A_155] : memref<512x128xf32, #tpu.memory_space<vmem>>, vector<512x128xf32>
      %mul3A_157 = vector.broadcast %exp3A_148 : vector<512x1xf32> to vector<512x128xf32>
      %mul3A_158 = arith.mulf %get3A_156, %mul3A_157 : vector<512x128xf32>
      %dot_general3A_159 = arith.constant dense<0.000000e+00> : vector<512x128xf32>
      %dot_general3A_160 = tpu.matmul %exp3A_152, %concatenate3A_153, %dot_general3A_159 {dimension_numbers = #tpu.dot_dimension_numbers<[1], [0], [0], [1], [0, 0, 1, 1], [], []>, transpose_lhs_hint = false} : vector<512x512xbf16>, vector<512x128xbf16>, vector<512x128xf32> -> vector<512x128xf32>
      %add3A = arith.addf %mul3A_158, %dot_general3A_160 : vector<512x128xf32>
      %swap3A_161 = arith.constant 0 : index
      %swap3A_162 = arith.constant 0 : index
      %swap3A_163 = vector.load %arg7[%swap3A_161, %swap3A_162] : memref<512x128xf32, #tpu.memory_space<vmem>>, vector<512x128xf32>
      tpu.vector_store %arg7[%swap3A_161, %swap3A_162], %add3A {strides = array<i32>} : memref<512x128xf32, #tpu.memory_space<vmem>>, vector<512x128xf32>,
      %swap3A_164 = arith.constant 0 : index
      %swap3A_165 = arith.constant 0 : index
      %swap3A_166 = vector.load %arg6[%swap3A_164, %swap3A_165] : memref<512x1xf32, #tpu.memory_space<vmem>>, vector<512x1xf32>
      tpu.vector_store %arg6[%swap3A_164, %swap3A_165], %max3A {strides = array<i32>} : memref<512x1xf32, #tpu.memory_space<vmem>>, vector<512x1xf32>,
    } else {
    }
    %gt3A_36 = arith.constant 1 : i32
    %gt3A_37 = arith.cmpi sgt, %arg1, %gt3A_36 : i32
    %convert_element_type3A_38 = arith.extui %gt3A_37 : i1 to i32
    %cond3A_39 = arith.constant 0 : i32
    %cond3A_40 = arith.cmpi ne, %convert_element_type3A_38, %cond3A_39 : i32
    scf.if %cond3A_40 {
      %get3A_128 = arith.constant 512 : index
      %get3A_129 = arith.constant 0 : index
      %get3A_130 = vector.load %arg3[%get3A_128, %get3A_129] : memref<2048x128xbf16, #tpu.memory_space<vmem>>, vector<512x64xbf16>
      %get3A_131 = arith.constant 512 : index
      %get3A_132 = arith.constant 0 : index
      %get3A_133 = vector.load %arg4[%get3A_131, %get3A_132] : memref<2048x128xbf16, #tpu.memory_space<vmem>>, vector<512x64xbf16>
      %dot_general3A_134 = arith.constant dense<0.000000e+00> : vector<512x512xf32>
      %dot_general3A_135 = tpu.matmul %convert_element_type3A_7, %get3A_130, %dot_general3A_134 {dimension_numbers = #tpu.dot_dimension_numbers<[1], [1], [0], [0], [0, 0, 1, 0], [], []>, transpose_lhs_hint = false} : vector<512x64xbf16>, vector<512x64xbf16>, vector<512x512xf32> -> vector<512x512xf32>
      %convert_element_type3A_136 = arith.truncf %dot_general3A_135 : vector<512x512xf32> to vector<512x512xbf16>
      %reduce_max3A_137 = arith.constant dense<0xFF80> : vector<512xbf16>
      %reduce_max3A_138 = vector.multi_reduction <maximumf>, %convert_element_type3A_136, %reduce_max3A_137 [1] : vector<512x512xbf16> to vector<512xbf16>
      %broadcast_in_dim3A_139 = vector.shape_cast %reduce_max3A_138 : vector<512xbf16> to vector<512x1xbf16>
      %convert_element_type3A_140 = arith.extf %broadcast_in_dim3A_139 : vector<512x1xbf16> to vector<512x1xf32>
      %get3A_141 = arith.constant 0 : index
      %get3A_142 = arith.constant 0 : index
      %get3A_143 = vector.load %arg6[%get3A_141, %get3A_142] : memref<512x1xf32, #tpu.memory_space<vmem>>, vector<512x1xf32>
      %max3A = arith.maximumf %get3A_143, %convert_element_type3A_140 : vector<512x1xf32>
      %get3A_144 = arith.constant 0 : index
      %get3A_145 = arith.constant 0 : index
      %get3A_146 = vector.load %arg6[%get3A_144, %get3A_145] : memref<512x1xf32, #tpu.memory_space<vmem>>, vector<512x1xf32>
      %sub3A_147 = arith.subf %get3A_146, %max3A : vector<512x1xf32>
      %exp3A_148 = math.exp %sub3A_147 : vector<512x1xf32>
      %convert_element_type3A_149 = arith.truncf %max3A : vector<512x1xf32> to vector<512x1xbf16>
      %sub3A_150 = vector.broadcast %convert_element_type3A_149 : vector<512x1xbf16> to vector<512x512xbf16>
      %sub3A_151 = arith.subf %convert_element_type3A_136, %sub3A_150 : vector<512x512xbf16>
      %exp3A_152 = math.exp %sub3A_151 : vector<512x512xbf16>
      %concatenate3A_153 = tpu.concatenate %get3A_133, %broadcast_in_dim3A_3 in 1 : vector<512x64xbf16>, vector<512x64xbf16> -> vector<512x128xbf16>
      %get3A_154 = arith.constant 0 : index
      %get3A_155 = arith.constant 0 : index
      %get3A_156 = vector.load %arg7[%get3A_154, %get3A_155] : memref<512x128xf32, #tpu.memory_space<vmem>>, vector<512x128xf32>
      %mul3A_157 = vector.broadcast %exp3A_148 : vector<512x1xf32> to vector<512x128xf32>
      %mul3A_158 = arith.mulf %get3A_156, %mul3A_157 : vector<512x128xf32>
      %dot_general3A_159 = arith.constant dense<0.000000e+00> : vector<512x128xf32>
      %dot_general3A_160 = tpu.matmul %exp3A_152, %concatenate3A_153, %dot_general3A_159 {dimension_numbers = #tpu.dot_dimension_numbers<[1], [0], [0], [1], [0, 0, 1, 1], [], []>, transpose_lhs_hint = false} : vector<512x512xbf16>, vector<512x128xbf16>, vector<512x128xf32> -> vector<512x128xf32>
      %add3A = arith.addf %mul3A_158, %dot_general3A_160 : vector<512x128xf32>
      %swap3A_161 = arith.constant 0 : index
      %swap3A_162 = arith.constant 0 : index
      %swap3A_163 = vector.load %arg7[%swap3A_161, %swap3A_162] : memref<512x128xf32, #tpu.memory_space<vmem>>, vector<512x128xf32>
      tpu.vector_store %arg7[%swap3A_161, %swap3A_162], %add3A {strides = array<i32>} : memref<512x128xf32, #tpu.memory_space<vmem>>, vector<512x128xf32>,
      %swap3A_164 = arith.constant 0 : index
      %swap3A_165 = arith.constant 0 : index
      %swap3A_166 = vector.load %arg6[%swap3A_164, %swap3A_165] : memref<512x1xf32, #tpu.memory_space<vmem>>, vector<512x1xf32>
      tpu.vector_store %arg6[%swap3A_164, %swap3A_165], %max3A {strides = array<i32>} : memref<512x1xf32, #tpu.memory_space<vmem>>, vector<512x1xf32>,
    } else {
    }
    %gt3A_41 = arith.constant 2 : i32
    %gt3A_42 = arith.cmpi sgt, %arg1, %gt3A_41 : i32
    %convert_element_type3A_43 = arith.extui %gt3A_42 : i1 to i32
    %cond3A_44 = arith.constant 0 : i32
    %cond3A_45 = arith.cmpi ne, %convert_element_type3A_43, %cond3A_44 : i32
    scf.if %cond3A_45 {
      %get3A_128 = arith.constant 1024 : index
      %get3A_129 = arith.constant 0 : index
      %get3A_130 = vector.load %arg3[%get3A_128, %get3A_129] : memref<2048x128xbf16, #tpu.memory_space<vmem>>, vector<512x64xbf16>
      %get3A_131 = arith.constant 1024 : index
      %get3A_132 = arith.constant 0 : index
      %get3A_133 = vector.load %arg4[%get3A_131, %get3A_132] : memref<2048x128xbf16, #tpu.memory_space<vmem>>, vector<512x64xbf16>
      %dot_general3A_134 = arith.constant dense<0.000000e+00> : vector<512x512xf32>
      %dot_general3A_135 = tpu.matmul %convert_element_type3A_7, %get3A_130, %dot_general3A_134 {dimension_numbers = #tpu.dot_dimension_numbers<[1], [1], [0], [0], [0, 0, 1, 0], [], []>, transpose_lhs_hint = false} : vector<512x64xbf16>, vector<512x64xbf16>, vector<512x512xf32> -> vector<512x512xf32>
      %convert_element_type3A_136 = arith.truncf %dot_general3A_135 : vector<512x512xf32> to vector<512x512xbf16>
      %reduce_max3A_137 = arith.constant dense<0xFF80> : vector<512xbf16>
      %reduce_max3A_138 = vector.multi_reduction <maximumf>, %convert_element_type3A_136, %reduce_max3A_137 [1] : vector<512x512xbf16> to vector<512xbf16>
      %broadcast_in_dim3A_139 = vector.shape_cast %reduce_max3A_138 : vector<512xbf16> to vector<512x1xbf16>
      %convert_element_type3A_140 = arith.extf %broadcast_in_dim3A_139 : vector<512x1xbf16> to vector<512x1xf32>
      %get3A_141 = arith.constant 0 : index
      %get3A_142 = arith.constant 0 : index
      %get3A_143 = vector.load %arg6[%get3A_141, %get3A_142] : memref<512x1xf32, #tpu.memory_space<vmem>>, vector<512x1xf32>
      %max3A = arith.maximumf %get3A_143, %convert_element_type3A_140 : vector<512x1xf32>
      %get3A_144 = arith.constant 0 : index
      %get3A_145 = arith.constant 0 : index
      %get3A_146 = vector.load %arg6[%get3A_144, %get3A_145] : memref<512x1xf32, #tpu.memory_space<vmem>>, vector<512x1xf32>
      %sub3A_147 = arith.subf %get3A_146, %max3A : vector<512x1xf32>
      %exp3A_148 = math.exp %sub3A_147 : vector<512x1xf32>
      %convert_element_type3A_149 = arith.truncf %max3A : vector<512x1xf32> to vector<512x1xbf16>
      %sub3A_150 = vector.broadcast %convert_element_type3A_149 : vector<512x1xbf16> to vector<512x512xbf16>
      %sub3A_151 = arith.subf %convert_element_type3A_136, %sub3A_150 : vector<512x512xbf16>
      %exp3A_152 = math.exp %sub3A_151 : vector<512x512xbf16>
      %concatenate3A_153 = tpu.concatenate %get3A_133, %broadcast_in_dim3A_3 in 1 : vector<512x64xbf16>, vector<512x64xbf16> -> vector<512x128xbf16>
      %get3A_154 = arith.constant 0 : index
      %get3A_155 = arith.constant 0 : index
      %get3A_156 = vector.load %arg7[%get3A_154, %get3A_155] : memref<512x128xf32, #tpu.memory_space<vmem>>, vector<512x128xf32>
      %mul3A_157 = vector.broadcast %exp3A_148 : vector<512x1xf32> to vector<512x128xf32>
      %mul3A_158 = arith.mulf %get3A_156, %mul3A_157 : vector<512x128xf32>
      %dot_general3A_159 = arith.constant dense<0.000000e+00> : vector<512x128xf32>
      %dot_general3A_160 = tpu.matmul %exp3A_152, %concatenate3A_153, %dot_general3A_159 {dimension_numbers = #tpu.dot_dimension_numbers<[1], [0], [0], [1], [0, 0, 1, 1], [], []>, transpose_lhs_hint = false} : vector<512x512xbf16>, vector<512x128xbf16>, vector<512x128xf32> -> vector<512x128xf32>
      %add3A = arith.addf %mul3A_158, %dot_general3A_160 : vector<512x128xf32>
      %swap3A_161 = arith.constant 0 : index
      %swap3A_162 = arith.constant 0 : index
      %swap3A_163 = vector.load %arg7[%swap3A_161, %swap3A_162] : memref<512x128xf32, #tpu.memory_space<vmem>>, vector<512x128xf32>
      tpu.vector_store %arg7[%swap3A_161, %swap3A_162], %add3A {strides = array<i32>} : memref<512x128xf32, #tpu.memory_space<vmem>>, vector<512x128xf32>,
      %swap3A_164 = arith.constant 0 : index
      %swap3A_165 = arith.constant 0 : index
      %swap3A_166 = vector.load %arg6[%swap3A_164, %swap3A_165] : memref<512x1xf32, #tpu.memory_space<vmem>>, vector<512x1xf32>
      tpu.vector_store %arg6[%swap3A_164, %swap3A_165], %max3A {strides = array<i32>} : memref<512x1xf32, #tpu.memory_space<vmem>>, vector<512x1xf32>,
    } else {
    }
    %get3A_46 = arith.constant 0 : index
    %get3A_47 = arith.constant 0 : index
    %get3A_48 = vector.load %arg7[%get3A_46, %get3A_47] : memref<512x128xf32, #tpu.memory_space<vmem>>, vector<512x128xf32>
    %slice3A = vector.extract_strided_slice %get3A_48 {offsets = [0, 0], sizes = [512, 64], strides = [1, 1]} : vector<512x128xf32> to vector<512x64xf32>
    %slice3A_49 = vector.extract_strided_slice %get3A_48 {offsets = [0, 64], sizes = [512, 1], strides = [1, 1]} : vector<512x128xf32> to vector<512x1xf32>
    %div3A_50 = arith.constant 1.000000e+00 : f32
    %div3A_51 = vector.broadcast %div3A_50 : f32 to vector<512x1xf32>
    %div3A_52 = arith.divf %div3A_51, %slice3A_49 : vector<512x1xf32>
    %mul3A_53 = vector.broadcast %div3A_52 : vector<512x1xf32> to vector<512x64xf32>
    %mul3A_54 = arith.mulf %slice3A, %mul3A_53 : vector<512x64xf32>
    %convert_element_type3A_55 = arith.truncf %mul3A_54 : vector<512x64xf32> to vector<512x64xbf16>
    %swap3A_56 = arith.constant 0 : index
    %swap3A_57 = arith.constant 0 : index
    %swap3A_58 = vector.load %arg5[%swap3A_56, %swap3A_57] : memref<512x128xbf16, #tpu.memory_space<vmem>>, vector<512x64xbf16>
    tpu.vector_store %arg5[%swap3A_56, %swap3A_57], %convert_element_type3A_55 {strides = array<i32>} : memref<512x128xbf16, #tpu.memory_space<vmem>>, vector<512x64xbf16>,
    %get3A_59 = arith.constant 0 : index
    %get3A_60 = arith.constant 64 : index
    %get3A_61 = vector.load %arg2[%get3A_59, %get3A_60] : memref<512x128xbf16, #tpu.memory_space<vmem>>, vector<512x64xbf16>
    %convert_element_type3A_62 = arith.extf %get3A_61 : vector<512x64xbf16> to vector<512x64xf32>
    %mul3A_63 = vector.broadcast %div3A_2 : f32 to vector<512x64xf32>
    %mul3A_64 = arith.mulf %convert_element_type3A_62, %mul3A_63 : vector<512x64xf32>
    %convert_element_type3A_65 = arith.truncf %mul3A_64 : vector<512x64xf32> to vector<512x64xbf16>
    %mul3A_66 = arith.constant 512 : i32
    %mul3A_67 = arith.muli %arg1, %mul3A_66 : i32
    %get3A_68 = arith.index_cast %mul3A_67 : i32 to index
    %get3A_69 = arith.constant 64 : index
    %get3A_70 = vector.load %arg3[%get3A_68, %get3A_69] : memref<2048x128xbf16, #tpu.memory_space<vmem>>, vector<512x64xbf16>
    %mul3A_71 = arith.constant 512 : i32
    %mul3A_72 = arith.muli %arg1, %mul3A_71 : i32
    %get3A_73 = arith.index_cast %mul3A_72 : i32 to index
    %get3A_74 = arith.constant 64 : index
    %get3A_75 = vector.load %arg4[%get3A_73, %get3A_74] : memref<2048x128xbf16, #tpu.memory_space<vmem>>, vector<512x64xbf16>
    %dot_general3A_76 = arith.constant dense<0.000000e+00> : vector<512x512xf32>
    %dot_general3A_77 = tpu.matmul %convert_element_type3A_65, %get3A_70, %dot_general3A_76 {dimension_numbers = #tpu.dot_dimension_numbers<[1], [1], [0], [0], [0, 0, 1, 0], [], []>, transpose_lhs_hint = false} : vector<512x64xbf16>, vector<512x64xbf16>, vector<512x512xf32> -> vector<512x512xf32>
    %convert_element_type3A_78 = arith.truncf %dot_general3A_77 : vector<512x512xf32> to vector<512x512xbf16>
    %jit3A_79 = arith.constant -9.982440e+08 : bf16
    %broadcast_in_dim3A_80 = vector.broadcast %jit3A_79 : bf16 to vector<512x512xbf16>
    %select_n3A_81 = arith.select %le3A, %convert_element_type3A_78, %broadcast_in_dim3A_80 : vector<512x512xi1>, vector<512x512xbf16>
    %reduce_max3A_82 = arith.constant dense<0xFF80> : vector<512xbf16>
    %reduce_max3A_83 = vector.multi_reduction <maximumf>, %select_n3A_81, %reduce_max3A_82 [1] : vector<512x512xbf16> to vector<512xbf16>
    %broadcast_in_dim3A_84 = vector.shape_cast %reduce_max3A_83 : vector<512xbf16> to vector<512x1xbf16>
    %convert_element_type3A_85 = arith.extf %broadcast_in_dim3A_84 : vector<512x1xbf16> to vector<512x1xf32>
    %swap3A_86 = arith.constant 0 : index
    %swap3A_87 = arith.constant 0 : index
    %swap3A_88 = vector.load %arg6[%swap3A_86, %swap3A_87] : memref<512x1xf32, #tpu.memory_space<vmem>>, vector<512x1xf32>
    tpu.vector_store %arg6[%swap3A_86, %swap3A_87], %convert_element_type3A_85 {strides = array<i32>} : memref<512x1xf32, #tpu.memory_space<vmem>>, vector<512x1xf32>,
    %convert_element_type3A_89 = arith.truncf %convert_element_type3A_85 : vector<512x1xf32> to vector<512x1xbf16>
    %sub3A_90 = vector.broadcast %convert_element_type3A_89 : vector<512x1xbf16> to vector<512x512xbf16>
    %sub3A_91 = arith.subf %select_n3A_81, %sub3A_90 : vector<512x512xbf16>
    %exp3A_92 = math.exp %sub3A_91 : vector<512x512xbf16>
    %concatenate3A_93 = tpu.concatenate %get3A_75, %broadcast_in_dim3A_3 in 1 : vector<512x64xbf16>, vector<512x64xbf16> -> vector<512x128xbf16>
    %dot_general3A_94 = arith.constant dense<0.000000e+00> : vector<512x128xf32>
    %dot_general3A_95 = tpu.matmul %exp3A_92, %concatenate3A_93, %dot_general3A_94 {dimension_numbers = #tpu.dot_dimension_numbers<[1], [0], [0], [1], [0, 0, 1, 1], [], []>, transpose_lhs_hint = false} : vector<512x512xbf16>, vector<512x128xbf16>, vector<512x128xf32> -> vector<512x128xf32>
    %swap3A_96 = arith.constant 0 : index
    %swap3A_97 = arith.constant 0 : index
    %swap3A_98 = vector.load %arg7[%swap3A_96, %swap3A_97] : memref<512x128xf32, #tpu.memory_space<vmem>>, vector<512x128xf32>
    tpu.vector_store %arg7[%swap3A_96, %swap3A_97], %dot_general3A_95 {strides = array<i32>} : memref<512x128xf32, #tpu.memory_space<vmem>>, vector<512x128xf32>,
    %gt3A_99 = arith.constant 0 : i32
    %gt3A_100 = arith.cmpi sgt, %arg1, %gt3A_99 : i32
    %convert_element_type3A_101 = arith.extui %gt3A_100 : i1 to i32
    %cond3A_102 = arith.constant 0 : i32
    %cond3A_103 = arith.cmpi ne, %convert_element_type3A_101, %cond3A_102 : i32
    scf.if %cond3A_103 {
      %get3A_128 = arith.constant 0 : index
      %get3A_129 = arith.constant 64 : index
      %get3A_130 = vector.load %arg3[%get3A_128, %get3A_129] : memref<2048x128xbf16, #tpu.memory_space<vmem>>, vector<512x64xbf16>
      %get3A_131 = arith.constant 0 : index
      %get3A_132 = arith.constant 64 : index
      %get3A_133 = vector.load %arg4[%get3A_131, %get3A_132] : memref<2048x128xbf16, #tpu.memory_space<vmem>>, vector<512x64xbf16>
      %dot_general3A_134 = arith.constant dense<0.000000e+00> : vector<512x512xf32>
      %dot_general3A_135 = tpu.matmul %convert_element_type3A_65, %get3A_130, %dot_general3A_134 {dimension_numbers = #tpu.dot_dimension_numbers<[1], [1], [0], [0], [0, 0, 1, 0], [], []>, transpose_lhs_hint = false} : vector<512x64xbf16>, vector<512x64xbf16>, vector<512x512xf32> -> vector<512x512xf32>
      %convert_element_type3A_136 = arith.truncf %dot_general3A_135 : vector<512x512xf32> to vector<512x512xbf16>
      %reduce_max3A_137 = arith.constant dense<0xFF80> : vector<512xbf16>
      %reduce_max3A_138 = vector.multi_reduction <maximumf>, %convert_element_type3A_136, %reduce_max3A_137 [1] : vector<512x512xbf16> to vector<512xbf16>
      %broadcast_in_dim3A_139 = vector.shape_cast %reduce_max3A_138 : vector<512xbf16> to vector<512x1xbf16>
      %convert_element_type3A_140 = arith.extf %broadcast_in_dim3A_139 : vector<512x1xbf16> to vector<512x1xf32>
      %get3A_141 = arith.constant 0 : index
      %get3A_142 = arith.constant 0 : index
      %get3A_143 = vector.load %arg6[%get3A_141, %get3A_142] : memref<512x1xf32, #tpu.memory_space<vmem>>, vector<512x1xf32>
      %max3A = arith.maximumf %get3A_143, %convert_element_type3A_140 : vector<512x1xf32>
      %get3A_144 = arith.constant 0 : index
      %get3A_145 = arith.constant 0 : index
      %get3A_146 = vector.load %arg6[%get3A_144, %get3A_145] : memref<512x1xf32, #tpu.memory_space<vmem>>, vector<512x1xf32>
      %sub3A_147 = arith.subf %get3A_146, %max3A : vector<512x1xf32>
      %exp3A_148 = math.exp %sub3A_147 : vector<512x1xf32>
      %convert_element_type3A_149 = arith.truncf %max3A : vector<512x1xf32> to vector<512x1xbf16>
      %sub3A_150 = vector.broadcast %convert_element_type3A_149 : vector<512x1xbf16> to vector<512x512xbf16>
      %sub3A_151 = arith.subf %convert_element_type3A_136, %sub3A_150 : vector<512x512xbf16>
      %exp3A_152 = math.exp %sub3A_151 : vector<512x512xbf16>
      %concatenate3A_153 = tpu.concatenate %get3A_133, %broadcast_in_dim3A_3 in 1 : vector<512x64xbf16>, vector<512x64xbf16> -> vector<512x128xbf16>
      %get3A_154 = arith.constant 0 : index
      %get3A_155 = arith.constant 0 : index
      %get3A_156 = vector.load %arg7[%get3A_154, %get3A_155] : memref<512x128xf32, #tpu.memory_space<vmem>>, vector<512x128xf32>
      %mul3A_157 = vector.broadcast %exp3A_148 : vector<512x1xf32> to vector<512x128xf32>
      %mul3A_158 = arith.mulf %get3A_156, %mul3A_157 : vector<512x128xf32>
      %dot_general3A_159 = arith.constant dense<0.000000e+00> : vector<512x128xf32>
      %dot_general3A_160 = tpu.matmul %exp3A_152, %concatenate3A_153, %dot_general3A_159 {dimension_numbers = #tpu.dot_dimension_numbers<[1], [0], [0], [1], [0, 0, 1, 1], [], []>, transpose_lhs_hint = false} : vector<512x512xbf16>, vector<512x128xbf16>, vector<512x128xf32> -> vector<512x128xf32>
      %add3A = arith.addf %mul3A_158, %dot_general3A_160 : vector<512x128xf32>
      %swap3A_161 = arith.constant 0 : index
      %swap3A_162 = arith.constant 0 : index
      %swap3A_163 = vector.load %arg7[%swap3A_161, %swap3A_162] : memref<512x128xf32, #tpu.memory_space<vmem>>, vector<512x128xf32>
      tpu.vector_store %arg7[%swap3A_161, %swap3A_162], %add3A {strides = array<i32>} : memref<512x128xf32, #tpu.memory_space<vmem>>, vector<512x128xf32>,
      %swap3A_164 = arith.constant 0 : index
      %swap3A_165 = arith.constant 0 : index
      %swap3A_166 = vector.load %arg6[%swap3A_164, %swap3A_165] : memref<512x1xf32, #tpu.memory_space<vmem>>, vector<512x1xf32>
      tpu.vector_store %arg6[%swap3A_164, %swap3A_165], %max3A {strides = array<i32>} : memref<512x1xf32, #tpu.memory_space<vmem>>, vector<512x1xf32>,
    } else {
    }
    %gt3A_104 = arith.constant 1 : i32
    %gt3A_105 = arith.cmpi sgt, %arg1, %gt3A_104 : i32
    %convert_element_type3A_106 = arith.extui %gt3A_105 : i1 to i32
    %cond3A_107 = arith.constant 0 : i32
    %cond3A_108 = arith.cmpi ne, %convert_element_type3A_106, %cond3A_107 : i32
    scf.if %cond3A_108 {
      %get3A_128 = arith.constant 512 : index
      %get3A_129 = arith.constant 64 : index
      %get3A_130 = vector.load %arg3[%get3A_128, %get3A_129] : memref<2048x128xbf16, #tpu.memory_space<vmem>>, vector<512x64xbf16>
      %get3A_131 = arith.constant 512 : index
      %get3A_132 = arith.constant 64 : index
      %get3A_133 = vector.load %arg4[%get3A_131, %get3A_132] : memref<2048x128xbf16, #tpu.memory_space<vmem>>, vector<512x64xbf16>
      %dot_general3A_134 = arith.constant dense<0.000000e+00> : vector<512x512xf32>
      %dot_general3A_135 = tpu.matmul %convert_element_type3A_65, %get3A_130, %dot_general3A_134 {dimension_numbers = #tpu.dot_dimension_numbers<[1], [1], [0], [0], [0, 0, 1, 0], [], []>, transpose_lhs_hint = false} : vector<512x64xbf16>, vector<512x64xbf16>, vector<512x512xf32> -> vector<512x512xf32>
      %convert_element_type3A_136 = arith.truncf %dot_general3A_135 : vector<512x512xf32> to vector<512x512xbf16>
      %reduce_max3A_137 = arith.constant dense<0xFF80> : vector<512xbf16>
      %reduce_max3A_138 = vector.multi_reduction <maximumf>, %convert_element_type3A_136, %reduce_max3A_137 [1] : vector<512x512xbf16> to vector<512xbf16>
      %broadcast_in_dim3A_139 = vector.shape_cast %reduce_max3A_138 : vector<512xbf16> to vector<512x1xbf16>
      %convert_element_type3A_140 = arith.extf %broadcast_in_dim3A_139 : vector<512x1xbf16> to vector<512x1xf32>
      %get3A_141 = arith.constant 0 : index
      %get3A_142 = arith.constant 0 : index
      %get3A_143 = vector.load %arg6[%get3A_141, %get3A_142] : memref<512x1xf32, #tpu.memory_space<vmem>>, vector<512x1xf32>
      %max3A = arith.maximumf %get3A_143, %convert_element_type3A_140 : vector<512x1xf32>
      %get3A_144 = arith.constant 0 : index
      %get3A_145 = arith.constant 0 : index
      %get3A_146 = vector.load %arg6[%get3A_144, %get3A_145] : memref<512x1xf32, #tpu.memory_space<vmem>>, vector<512x1xf32>
      %sub3A_147 = arith.subf %get3A_146, %max3A : vector<512x1xf32>
      %exp3A_148 = math.exp %sub3A_147 : vector<512x1xf32>
      %convert_element_type3A_149 = arith.truncf %max3A : vector<512x1xf32> to vector<512x1xbf16>
      %sub3A_150 = vector.broadcast %convert_element_type3A_149 : vector<512x1xbf16> to vector<512x512xbf16>
      %sub3A_151 = arith.subf %convert_element_type3A_136, %sub3A_150 : vector<512x512xbf16>
      %exp3A_152 = math.exp %sub3A_151 : vector<512x512xbf16>
      %concatenate3A_153 = tpu.concatenate %get3A_133, %broadcast_in_dim3A_3 in 1 : vector<512x64xbf16>, vector<512x64xbf16> -> vector<512x128xbf16>
      %get3A_154 = arith.constant 0 : index
      %get3A_155 = arith.constant 0 : index
      %get3A_156 = vector.load %arg7[%get3A_154, %get3A_155] : memref<512x128xf32, #tpu.memory_space<vmem>>, vector<512x128xf32>
      %mul3A_157 = vector.broadcast %exp3A_148 : vector<512x1xf32> to vector<512x128xf32>
      %mul3A_158 = arith.mulf %get3A_156, %mul3A_157 : vector<512x128xf32>
      %dot_general3A_159 = arith.constant dense<0.000000e+00> : vector<512x128xf32>
      %dot_general3A_160 = tpu.matmul %exp3A_152, %concatenate3A_153, %dot_general3A_159 {dimension_numbers = #tpu.dot_dimension_numbers<[1], [0], [0], [1], [0, 0, 1, 1], [], []>, transpose_lhs_hint = false} : vector<512x512xbf16>, vector<512x128xbf16>, vector<512x128xf32> -> vector<512x128xf32>
      %add3A = arith.addf %mul3A_158, %dot_general3A_160 : vector<512x128xf32>
      %swap3A_161 = arith.constant 0 : index
      %swap3A_162 = arith.constant 0 : index
      %swap3A_163 = vector.load %arg7[%swap3A_161, %swap3A_162] : memref<512x128xf32, #tpu.memory_space<vmem>>, vector<512x128xf32>
      tpu.vector_store %arg7[%swap3A_161, %swap3A_162], %add3A {strides = array<i32>} : memref<512x128xf32, #tpu.memory_space<vmem>>, vector<512x128xf32>,
      %swap3A_164 = arith.constant 0 : index
      %swap3A_165 = arith.constant 0 : index
      %swap3A_166 = vector.load %arg6[%swap3A_164, %swap3A_165] : memref<512x1xf32, #tpu.memory_space<vmem>>, vector<512x1xf32>
      tpu.vector_store %arg6[%swap3A_164, %swap3A_165], %max3A {strides = array<i32>} : memref<512x1xf32, #tpu.memory_space<vmem>>, vector<512x1xf32>,
    } else {
    }
    %gt3A_109 = arith.constant 2 : i32
    %gt3A_110 = arith.cmpi sgt, %arg1, %gt3A_109 : i32
    %convert_element_type3A_111 = arith.extui %gt3A_110 : i1 to i32
    %cond3A_112 = arith.constant 0 : i32
    %cond3A_113 = arith.cmpi ne, %convert_element_type3A_111, %cond3A_112 : i32
    scf.if %cond3A_113 {
      %get3A_128 = arith.constant 1024 : index
      %get3A_129 = arith.constant 64 : index
      %get3A_130 = vector.load %arg3[%get3A_128, %get3A_129] : memref<2048x128xbf16, #tpu.memory_space<vmem>>, vector<512x64xbf16>
      %get3A_131 = arith.constant 1024 : index
      %get3A_132 = arith.constant 64 : index
      %get3A_133 = vector.load %arg4[%get3A_131, %get3A_132] : memref<2048x128xbf16, #tpu.memory_space<vmem>>, vector<512x64xbf16>
      %dot_general3A_134 = arith.constant dense<0.000000e+00> : vector<512x512xf32>
      %dot_general3A_135 = tpu.matmul %convert_element_type3A_65, %get3A_130, %dot_general3A_134 {dimension_numbers = #tpu.dot_dimension_numbers<[1], [1], [0], [0], [0, 0, 1, 0], [], []>, transpose_lhs_hint = false} : vector<512x64xbf16>, vector<512x64xbf16>, vector<512x512xf32> -> vector<512x512xf32>
      %convert_element_type3A_136 = arith.truncf %dot_general3A_135 : vector<512x512xf32> to vector<512x512xbf16>
      %reduce_max3A_137 = arith.constant dense<0xFF80> : vector<512xbf16>
      %reduce_max3A_138 = vector.multi_reduction <maximumf>, %convert_element_type3A_136, %reduce_max3A_137 [1] : vector<512x512xbf16> to vector<512xbf16>
      %broadcast_in_dim3A_139 = vector.shape_cast %reduce_max3A_138 : vector<512xbf16> to vector<512x1xbf16>
      %convert_element_type3A_140 = arith.extf %broadcast_in_dim3A_139 : vector<512x1xbf16> to vector<512x1xf32>
      %get3A_141 = arith.constant 0 : index
      %get3A_142 = arith.constant 0 : index
      %get3A_143 = vector.load %arg6[%get3A_141, %get3A_142] : memref<512x1xf32, #tpu.memory_space<vmem>>, vector<512x1xf32>
      %max3A = arith.maximumf %get3A_143, %convert_element_type3A_140 : vector<512x1xf32>
      %get3A_144 = arith.constant 0 : index
      %get3A_145 = arith.constant 0 : index
      %get3A_146 = vector.load %arg6[%get3A_144, %get3A_145] : memref<512x1xf32, #tpu.memory_space<vmem>>, vector<512x1xf32>
      %sub3A_147 = arith.subf %get3A_146, %max3A : vector<512x1xf32>
      %exp3A_148 = math.exp %sub3A_147 : vector<512x1xf32>
      %convert_element_type3A_149 = arith.truncf %max3A : vector<512x1xf32> to vector<512x1xbf16>
      %sub3A_150 = vector.broadcast %convert_element_type3A_149 : vector<512x1xbf16> to vector<512x512xbf16>
      %sub3A_151 = arith.subf %convert_element_type3A_136, %sub3A_150 : vector<512x512xbf16>
      %exp3A_152 = math.exp %sub3A_151 : vector<512x512xbf16>
      %concatenate3A_153 = tpu.concatenate %get3A_133, %broadcast_in_dim3A_3 in 1 : vector<512x64xbf16>, vector<512x64xbf16> -> vector<512x128xbf16>
      %get3A_154 = arith.constant 0 : index
      %get3A_155 = arith.constant 0 : index
      %get3A_156 = vector.load %arg7[%get3A_154, %get3A_155] : memref<512x128xf32, #tpu.memory_space<vmem>>, vector<512x128xf32>
      %mul3A_157 = vector.broadcast %exp3A_148 : vector<512x1xf32> to vector<512x128xf32>
      %mul3A_158 = arith.mulf %get3A_156, %mul3A_157 : vector<512x128xf32>
      %dot_general3A_159 = arith.constant dense<0.000000e+00> : vector<512x128xf32>
      %dot_general3A_160 = tpu.matmul %exp3A_152, %concatenate3A_153, %dot_general3A_159 {dimension_numbers = #tpu.dot_dimension_numbers<[1], [0], [0], [1], [0, 0, 1, 1], [], []>, transpose_lhs_hint = false} : vector<512x512xbf16>, vector<512x128xbf16>, vector<512x128xf32> -> vector<512x128xf32>
      %add3A = arith.addf %mul3A_158, %dot_general3A_160 : vector<512x128xf32>
      %swap3A_161 = arith.constant 0 : index
      %swap3A_162 = arith.constant 0 : index
      %swap3A_163 = vector.load %arg7[%swap3A_161, %swap3A_162] : memref<512x128xf32, #tpu.memory_space<vmem>>, vector<512x128xf32>
      tpu.vector_store %arg7[%swap3A_161, %swap3A_162], %add3A {strides = array<i32>} : memref<512x128xf32, #tpu.memory_space<vmem>>, vector<512x128xf32>,
      %swap3A_164 = arith.constant 0 : index
      %swap3A_165 = arith.constant 0 : index
      %swap3A_166 = vector.load %arg6[%swap3A_164, %swap3A_165] : memref<512x1xf32, #tpu.memory_space<vmem>>, vector<512x1xf32>
      tpu.vector_store %arg6[%swap3A_164, %swap3A_165], %max3A {strides = array<i32>} : memref<512x1xf32, #tpu.memory_space<vmem>>, vector<512x1xf32>,
    } else {
    }
    %get3A_114 = arith.constant 0 : index
    %get3A_115 = arith.constant 0 : index
    %get3A_116 = vector.load %arg7[%get3A_114, %get3A_115] : memref<512x128xf32, #tpu.memory_space<vmem>>, vector<512x128xf32>
    %slice3A_117 = vector.extract_strided_slice %get3A_116 {offsets = [0, 0], sizes = [512, 64], strides = [1, 1]} : vector<512x128xf32> to vector<512x64xf32>
    %slice3A_118 = vector.extract_strided_slice %get3A_116 {offsets = [0, 64], sizes = [512, 1], strides = [1, 1]} : vector<512x128xf32> to vector<512x1xf32>
    %div3A_119 = arith.constant 1.000000e+00 : f32
    %div3A_120 = vector.broadcast %div3A_119 : f32 to vector<512x1xf32>
    %div3A_121 = arith.divf %div3A_120, %slice3A_118 : vector<512x1xf32>
    %mul3A_122 = vector.broadcast %div3A_121 : vector<512x1xf32> to vector<512x64xf32>
    %mul3A_123 = arith.mulf %slice3A_117, %mul3A_122 : vector<512x64xf32>
    %convert_element_type3A_124 = arith.truncf %mul3A_123 : vector<512x64xf32> to vector<512x64xbf16>
    %swap3A_125 = arith.constant 0 : index
    %swap3A_126 = arith.constant 64 : index
    %swap3A_127 = vector.load %arg5[%swap3A_125, %swap3A_126] : memref<512x128xbf16, #tpu.memory_space<vmem>>, vector<512x64xbf16>
    tpu.vector_store %arg5[%swap3A_125, %swap3A_126], %convert_element_type3A_124 {strides = array<i32>} : memref<512x128xbf16, #tpu.memory_space<vmem>>, vector<512x64xbf16>,
    return
  }
  func.func @transform_0(%arg0: i32, %arg1: i32) -> (i32, i32) {
    %c0_i32 = arith.constant 0 : i32
    return %arg1, %arg0 : i32, i32
  }
  func.func @transform_1(%arg0: i32, %arg1: i32) -> (i32, i32) {
    %add3A = arith.constant 6 : i32
    %add3A_0 = arith.addi %add3A, %arg0 : i32
    %c0_i32 = arith.constant 0 : i32
    %c0_i32_1 = arith.constant 0 : i32
    return %c0_i32, %add3A_0 : i32, i32
  }
  func.func @transform_2(%arg0: i32, %arg1: i32) -> (i32, i32) {
    %add3A = arith.constant 12 : i32
    %add3A_0 = arith.addi %add3A, %arg0 : i32
    %c0_i32 = arith.constant 0 : i32
    %c0_i32_1 = arith.constant 0 : i32
    return %c0_i32, %add3A_0 : i32, i32
  }
  func.func @transform_3(%arg0: i32, %arg1: i32) -> (i32, i32) {
    %c0_i32 = arith.constant 0 : i32
    return %arg1, %arg0 : i32, i32
  }
}

module attributes {stable_mosaic.version = 14 : i64} {
  func.func @_qkv_kernel(%arg0: i32, %arg1: memref<256x768xf32, #tpu.memory_space<vmem>>, %arg2: memref<1x768xf32, #tpu.memory_space<vmem>>, %arg3: memref<768x768xf32, #tpu.memory_space<vmem>>, %arg4: memref<768x768xf32, #tpu.memory_space<vmem>>, %arg5: memref<768x768xf32, #tpu.memory_space<vmem>>, %arg6: memref<256x2304xbf16, #tpu.memory_space<vmem>>) attributes {dimension_semantics = [#tpu.dimension_semantics<arbitrary>], iteration_bounds = array<i64: 8>, scalar_prefetch = 0 : i64, scratch_operands = 0 : i64, tpu.core_type = #tpu.core_type<tc>, window_params = [{transform_indices = @transform_0, window_bounds = array<i64: 256, 768>}, {pipeline_mode = #tpu.pipeline_mode<synchronous>, transform_indices = @transform_1, window_bounds = array<i64: 1, 768>}, {pipeline_mode = #tpu.pipeline_mode<synchronous>, transform_indices = @transform_2, window_bounds = array<i64: 768, 768>}, {pipeline_mode = #tpu.pipeline_mode<synchronous>, transform_indices = @transform_3, window_bounds = array<i64: 768, 768>}, {pipeline_mode = #tpu.pipeline_mode<synchronous>, transform_indices = @transform_4, window_bounds = array<i64: 768, 768>}, {transform_indices = @transform_5, window_bounds = array<i64: 256, 2304>}]} {
    %get3A = arith.constant 0 : index
    %get3A_0 = arith.constant 0 : index
    %get3A_1 = vector.load %arg1[%get3A, %get3A_0] : memref<256x768xf32, #tpu.memory_space<vmem>>, vector<256x768xf32>
    %mul3A = arith.mulf %get3A_1, %get3A_1 : vector<256x768xf32>
    %reduce_sum3A = arith.constant dense<0.000000e+00> : vector<256xf32>
    %reduce_sum3A_2 = vector.multi_reduction <add>, %mul3A, %reduce_sum3A [1] : vector<256x768xf32> to vector<256xf32>
    %broadcast_in_dim3A = vector.shape_cast %reduce_sum3A_2 : vector<256xf32> to vector<256x1xf32>
    %div3A = arith.constant 7.680000e+02 : f32
    %div3A_3 = vector.broadcast %div3A : f32 to vector<256x1xf32>
    %div3A_4 = arith.divf %broadcast_in_dim3A, %div3A_3 : vector<256x1xf32>
    %add3A = arith.constant 9.99999997E-7 : f32
    %add3A_5 = vector.broadcast %add3A : f32 to vector<256x1xf32>
    %add3A_6 = arith.addf %div3A_4, %add3A_5 : vector<256x1xf32>
    %rsqrt3A = math.rsqrt %add3A_6 : vector<256x1xf32>
    %mul3A_7 = vector.broadcast %rsqrt3A : vector<256x1xf32> to vector<256x768xf32>
    %mul3A_8 = arith.mulf %get3A_1, %mul3A_7 : vector<256x768xf32>
    %get3A_9 = arith.constant 0 : index
    %get3A_10 = arith.constant 0 : index
    %get3A_11 = vector.load %arg2[%get3A_9, %get3A_10] : memref<1x768xf32, #tpu.memory_space<vmem>>, vector<1x768xf32>
    %mul3A_12 = vector.broadcast %get3A_11 : vector<1x768xf32> to vector<256x768xf32>
    %mul3A_13 = arith.mulf %mul3A_8, %mul3A_12 : vector<256x768xf32>
    %convert_element_type3A = arith.truncf %mul3A_13 : vector<256x768xf32> to vector<256x768xbf16>
    %get3A_14 = arith.constant 0 : index
    %get3A_15 = arith.constant 0 : index
    %get3A_16 = vector.load %arg3[%get3A_14, %get3A_15] : memref<768x768xf32, #tpu.memory_space<vmem>>, vector<768x768xf32>
    %convert_element_type3A_17 = arith.truncf %get3A_16 : vector<768x768xf32> to vector<768x768xbf16>
    %dot_general3A = arith.constant dense<0.000000e+00> : vector<256x768xf32>
    %dot_general3A_18 = tpu.matmul %convert_element_type3A, %convert_element_type3A_17, %dot_general3A {dimension_numbers = #tpu.dot_dimension_numbers<[1], [0], [0], [1], [0, 0, 1, 1], [], []>, transpose_lhs_hint = false} : vector<256x768xbf16>, vector<768x768xbf16>, vector<256x768xf32> -> vector<256x768xf32>
    %convert_element_type3A_19 = arith.truncf %dot_general3A_18 : vector<256x768xf32> to vector<256x768xbf16>
    %swap3A = arith.constant 0 : index
    %swap3A_20 = arith.constant 0 : index
    %swap3A_21 = vector.load %arg6[%swap3A, %swap3A_20] : memref<256x2304xbf16, #tpu.memory_space<vmem>>, vector<256x768xbf16>
    tpu.vector_store %arg6[%swap3A, %swap3A_20], %convert_element_type3A_19 {strides = array<i32>} : memref<256x2304xbf16, #tpu.memory_space<vmem>>, vector<256x768xbf16>,
    %get3A_22 = arith.constant 0 : index
    %get3A_23 = arith.constant 0 : index
    %get3A_24 = vector.load %arg4[%get3A_22, %get3A_23] : memref<768x768xf32, #tpu.memory_space<vmem>>, vector<768x768xf32>
    %convert_element_type3A_25 = arith.truncf %get3A_24 : vector<768x768xf32> to vector<768x768xbf16>
    %dot_general3A_26 = arith.constant dense<0.000000e+00> : vector<256x768xf32>
    %dot_general3A_27 = tpu.matmul %convert_element_type3A, %convert_element_type3A_25, %dot_general3A_26 {dimension_numbers = #tpu.dot_dimension_numbers<[1], [0], [0], [1], [0, 0, 1, 1], [], []>, transpose_lhs_hint = false} : vector<256x768xbf16>, vector<768x768xbf16>, vector<256x768xf32> -> vector<256x768xf32>
    %convert_element_type3A_28 = arith.truncf %dot_general3A_27 : vector<256x768xf32> to vector<256x768xbf16>
    %swap3A_29 = arith.constant 0 : index
    %swap3A_30 = arith.constant 768 : index
    %swap3A_31 = vector.load %arg6[%swap3A_29, %swap3A_30] : memref<256x2304xbf16, #tpu.memory_space<vmem>>, vector<256x768xbf16>
    tpu.vector_store %arg6[%swap3A_29, %swap3A_30], %convert_element_type3A_28 {strides = array<i32>} : memref<256x2304xbf16, #tpu.memory_space<vmem>>, vector<256x768xbf16>,
    %get3A_32 = arith.constant 0 : index
    %get3A_33 = arith.constant 0 : index
    %get3A_34 = vector.load %arg5[%get3A_32, %get3A_33] : memref<768x768xf32, #tpu.memory_space<vmem>>, vector<768x768xf32>
    %convert_element_type3A_35 = arith.truncf %get3A_34 : vector<768x768xf32> to vector<768x768xbf16>
    %dot_general3A_36 = arith.constant dense<0.000000e+00> : vector<256x768xf32>
    %dot_general3A_37 = tpu.matmul %convert_element_type3A, %convert_element_type3A_35, %dot_general3A_36 {dimension_numbers = #tpu.dot_dimension_numbers<[1], [0], [0], [1], [0, 0, 1, 1], [], []>, transpose_lhs_hint = false} : vector<256x768xbf16>, vector<768x768xbf16>, vector<256x768xf32> -> vector<256x768xf32>
    %convert_element_type3A_38 = arith.truncf %dot_general3A_37 : vector<256x768xf32> to vector<256x768xbf16>
    %swap3A_39 = arith.constant 0 : index
    %swap3A_40 = arith.constant 1536 : index
    %swap3A_41 = vector.load %arg6[%swap3A_39, %swap3A_40] : memref<256x2304xbf16, #tpu.memory_space<vmem>>, vector<256x768xbf16>
    tpu.vector_store %arg6[%swap3A_39, %swap3A_40], %convert_element_type3A_38 {strides = array<i32>} : memref<256x2304xbf16, #tpu.memory_space<vmem>>, vector<256x768xbf16>,
    return
  }
  func.func @transform_0(%arg0: i32) -> (i32, i32) {
    %c0_i32 = arith.constant 0 : i32
    %c0_i32_0 = arith.constant 0 : i32
    return %arg0, %c0_i32 : i32, i32
  }
  func.func @transform_1(%arg0: i32) -> (i32, i32) {
    %c0_i32 = arith.constant 0 : i32
    %c0_i32_0 = arith.constant 0 : i32
    %c0_i32_1 = arith.constant 0 : i32
    return %c0_i32, %c0_i32_0 : i32, i32
  }
  func.func @transform_2(%arg0: i32) -> (i32, i32) {
    %c0_i32 = arith.constant 0 : i32
    %c0_i32_0 = arith.constant 0 : i32
    %c0_i32_1 = arith.constant 0 : i32
    return %c0_i32, %c0_i32_0 : i32, i32
  }
  func.func @transform_3(%arg0: i32) -> (i32, i32) {
    %c0_i32 = arith.constant 0 : i32
    %c0_i32_0 = arith.constant 0 : i32
    %c0_i32_1 = arith.constant 0 : i32
    return %c0_i32, %c0_i32_0 : i32, i32
  }
  func.func @transform_4(%arg0: i32) -> (i32, i32) {
    %c0_i32 = arith.constant 0 : i32
    %c0_i32_0 = arith.constant 0 : i32
    %c0_i32_1 = arith.constant 0 : i32
    return %c0_i32, %c0_i32_0 : i32, i32
  }
  func.func @transform_5(%arg0: i32) -> (i32, i32) {
    %c0_i32 = arith.constant 0 : i32
    %c0_i32_0 = arith.constant 0 : i32
    return %arg0, %c0_i32 : i32, i32
  }
}

module attributes {stable_mosaic.version = 14 : i64} {
  func.func @_router_kernel(%arg0: i32, %arg1: memref<256x768xf32, #tpu.memory_space<vmem>>, %arg2: memref<256x768xbf16, #tpu.memory_space<vmem>>, %arg3: memref<768x768xf32, #tpu.memory_space<vmem>>, %arg4: memref<1x768xf32, #tpu.memory_space<vmem>>, %arg5: memref<768x8xf32, #tpu.memory_space<vmem>>, %arg6: memref<256x768xf32, #tpu.memory_space<vmem>>, %arg7: memref<256x768xbf16, #tpu.memory_space<vmem>>, %arg8: memref<256x2xf32, #tpu.memory_space<vmem>>, %arg9: memref<256x2xi32, #tpu.memory_space<vmem>>, %arg10: memref<1x16xf32, #tpu.memory_space<vmem>>) attributes {dimension_semantics = [#tpu.dimension_semantics<arbitrary>], iteration_bounds = array<i64: 8>, scalar_prefetch = 0 : i64, scratch_operands = 0 : i64, tpu.core_type = #tpu.core_type<tc>, window_params = [{transform_indices = @transform_0, window_bounds = array<i64: 256, 768>}, {transform_indices = @transform_1, window_bounds = array<i64: 256, 768>}, {pipeline_mode = #tpu.pipeline_mode<synchronous>, transform_indices = @transform_2, window_bounds = array<i64: 768, 768>}, {pipeline_mode = #tpu.pipeline_mode<synchronous>, transform_indices = @transform_3, window_bounds = array<i64: 1, 768>}, {pipeline_mode = #tpu.pipeline_mode<synchronous>, transform_indices = @transform_4, window_bounds = array<i64: 768, 8>}, {transform_indices = @transform_5, window_bounds = array<i64: 256, 768>}, {transform_indices = @transform_6, window_bounds = array<i64: 256, 768>}, {transform_indices = @transform_7, window_bounds = array<i64: 256, 2>}, {transform_indices = @transform_8, window_bounds = array<i64: 256, 2>}, {pipeline_mode = #tpu.pipeline_mode<synchronous>, transform_indices = @transform_9, window_bounds = array<i64: 1, 16>}]} {
    %get3A = arith.constant 0 : index
    %get3A_0 = arith.constant 0 : index
    %get3A_1 = vector.load %arg2[%get3A, %get3A_0] : memref<256x768xbf16, #tpu.memory_space<vmem>>, vector<256x768xbf16>
    %get3A_2 = arith.constant 0 : index
    %get3A_3 = arith.constant 0 : index
    %get3A_4 = vector.load %arg3[%get3A_2, %get3A_3] : memref<768x768xf32, #tpu.memory_space<vmem>>, vector<768x768xf32>
    %convert_element_type3A = arith.truncf %get3A_4 : vector<768x768xf32> to vector<768x768xbf16>
    %dot_general3A = arith.constant dense<0.000000e+00> : vector<256x768xf32>
    %dot_general3A_5 = tpu.matmul %get3A_1, %convert_element_type3A, %dot_general3A {dimension_numbers = #tpu.dot_dimension_numbers<[1], [0], [0], [1], [0, 0, 1, 1], [], []>, transpose_lhs_hint = false} : vector<256x768xbf16>, vector<768x768xbf16>, vector<256x768xf32> -> vector<256x768xf32>
    %get3A_6 = arith.constant 0 : index
    %get3A_7 = arith.constant 0 : index
    %get3A_8 = vector.load %arg1[%get3A_6, %get3A_7] : memref<256x768xf32, #tpu.memory_space<vmem>>, vector<256x768xf32>
    %add3A = arith.addf %get3A_8, %dot_general3A_5 : vector<256x768xf32>
    %swap3A = arith.constant 0 : index
    %swap3A_9 = arith.constant 0 : index
    %swap3A_10 = vector.load %arg6[%swap3A, %swap3A_9] : memref<256x768xf32, #tpu.memory_space<vmem>>, vector<256x768xf32>
    tpu.vector_store %arg6[%swap3A, %swap3A_9], %add3A {strides = array<i32>} : memref<256x768xf32, #tpu.memory_space<vmem>>, vector<256x768xf32>,
    %mul3A = arith.mulf %add3A, %add3A : vector<256x768xf32>
    %reduce_sum3A = arith.constant dense<0.000000e+00> : vector<256xf32>
    %reduce_sum3A_11 = vector.multi_reduction <add>, %mul3A, %reduce_sum3A [1] : vector<256x768xf32> to vector<256xf32>
    %broadcast_in_dim3A = vector.shape_cast %reduce_sum3A_11 : vector<256xf32> to vector<256x1xf32>
    %div3A = arith.constant 7.680000e+02 : f32
    %div3A_12 = vector.broadcast %div3A : f32 to vector<256x1xf32>
    %div3A_13 = arith.divf %broadcast_in_dim3A, %div3A_12 : vector<256x1xf32>
    %add3A_14 = arith.constant 9.99999997E-7 : f32
    %add3A_15 = vector.broadcast %add3A_14 : f32 to vector<256x1xf32>
    %add3A_16 = arith.addf %div3A_13, %add3A_15 : vector<256x1xf32>
    %rsqrt3A = math.rsqrt %add3A_16 : vector<256x1xf32>
    %mul3A_17 = vector.broadcast %rsqrt3A : vector<256x1xf32> to vector<256x768xf32>
    %mul3A_18 = arith.mulf %add3A, %mul3A_17 : vector<256x768xf32>
    %get3A_19 = arith.constant 0 : index
    %get3A_20 = arith.constant 0 : index
    %get3A_21 = vector.load %arg4[%get3A_19, %get3A_20] : memref<1x768xf32, #tpu.memory_space<vmem>>, vector<1x768xf32>
    %mul3A_22 = vector.broadcast %get3A_21 : vector<1x768xf32> to vector<256x768xf32>
    %mul3A_23 = arith.mulf %mul3A_18, %mul3A_22 : vector<256x768xf32>
    %convert_element_type3A_24 = arith.truncf %mul3A_23 : vector<256x768xf32> to vector<256x768xbf16>
    %swap3A_25 = arith.constant 0 : index
    %swap3A_26 = arith.constant 0 : index
    %swap3A_27 = vector.load %arg7[%swap3A_25, %swap3A_26] : memref<256x768xbf16, #tpu.memory_space<vmem>>, vector<256x768xbf16>
    tpu.vector_store %arg7[%swap3A_25, %swap3A_26], %convert_element_type3A_24 {strides = array<i32>} : memref<256x768xbf16, #tpu.memory_space<vmem>>, vector<256x768xbf16>,
    %get3A_28 = arith.constant 0 : index
    %get3A_29 = arith.constant 0 : index
    %get3A_30 = vector.load %arg5[%get3A_28, %get3A_29] : memref<768x8xf32, #tpu.memory_space<vmem>>, vector<768x8xf32>
    %dot_general3A_31 = arith.constant dense<0.000000e+00> : vector<256x8xf32>
    %dot_general3A_32 = tpu.matmul %mul3A_23, %get3A_30, %dot_general3A_31 {dimension_numbers = #tpu.dot_dimension_numbers<[1], [0], [0], [1], [0, 0, 1, 1], [], []>, transpose_lhs_hint = false} : vector<256x768xf32>, vector<768x8xf32>, vector<256x8xf32> -> vector<256x8xf32>
    %reduce_max3A = arith.constant dense<0xFF800000> : vector<256xf32>
    %reduce_max3A_33 = vector.multi_reduction <maximumf>, %dot_general3A_32, %reduce_max3A [1] : vector<256x8xf32> to vector<256xf32>
    %broadcast_in_dim3A_34 = vector.shape_cast %reduce_max3A_33 : vector<256xf32> to vector<256x1xf32>
    %sub3A = vector.broadcast %broadcast_in_dim3A_34 : vector<256x1xf32> to vector<256x8xf32>
    %sub3A_35 = arith.subf %dot_general3A_32, %sub3A : vector<256x8xf32>
    %exp3A = math.exp %sub3A_35 : vector<256x8xf32>
    %reduce_sum3A_36 = arith.constant dense<0.000000e+00> : vector<256xf32>
    %reduce_sum3A_37 = vector.multi_reduction <add>, %exp3A, %reduce_sum3A_36 [1] : vector<256x8xf32> to vector<256xf32>
    %broadcast_in_dim3A_38 = vector.shape_cast %reduce_sum3A_37 : vector<256xf32> to vector<256x1xf32>
    %div3A_39 = vector.broadcast %broadcast_in_dim3A_38 : vector<256x1xf32> to vector<256x8xf32>
    %div3A_40 = arith.divf %exp3A, %div3A_39 : vector<256x8xf32>
    %iota3A = tpu.iota {dimensions = array<i32: 1>} : vector<256x8xi32>
    %argmax3A = tpu.reduce_index %div3A_40 {axis = 1 : i32, kind = #tpu.reduction_kind<arg_max>} : vector<256x8xf32> -> vector<256xi32>
    %reduce_max3A_41 = arith.constant dense<0xFF800000> : vector<256xf32>
    %reduce_max3A_42 = vector.multi_reduction <maximumf>, %div3A_40, %reduce_max3A_41 [1] : vector<256x8xf32> to vector<256xf32>
    %broadcast_in_dim3A_43 = vector.shape_cast %reduce_max3A_42 : vector<256xf32> to vector<256x1xf32>
    %broadcast_in_dim3A_44 = vector.shape_cast %argmax3A : vector<256xi32> to vector<256x1xi32>
    %eq3A = vector.broadcast %broadcast_in_dim3A_44 : vector<256x1xi32> to vector<256x8xi32>
    %eq3A_45 = arith.cmpi eq, %iota3A, %eq3A : vector<256x8xi32>
    %jit3A = arith.constant -1.000000e+00 : f32
    %broadcast_in_dim3A_46 = vector.broadcast %jit3A : f32 to vector<256x8xf32>
    %select_n3A = arith.select %eq3A_45, %broadcast_in_dim3A_46, %div3A_40 : vector<256x8xi1>, vector<256x8xf32>
    %argmax3A_47 = tpu.reduce_index %select_n3A {axis = 1 : i32, kind = #tpu.reduction_kind<arg_max>} : vector<256x8xf32> -> vector<256xi32>
    %reduce_max3A_48 = arith.constant dense<0xFF800000> : vector<256xf32>
    %reduce_max3A_49 = vector.multi_reduction <maximumf>, %select_n3A, %reduce_max3A_48 [1] : vector<256x8xf32> to vector<256xf32>
    %broadcast_in_dim3A_50 = vector.shape_cast %reduce_max3A_49 : vector<256xf32> to vector<256x1xf32>
    %concatenate3A = tpu.concatenate %broadcast_in_dim3A_43, %broadcast_in_dim3A_50 in 1 : vector<256x1xf32>, vector<256x1xf32> -> vector<256x2xf32>
    %swap3A_51 = arith.constant 0 : index
    %swap3A_52 = arith.constant 0 : index
    %swap3A_53 = vector.load %arg8[%swap3A_51, %swap3A_52] : memref<256x2xf32, #tpu.memory_space<vmem>>, vector<256x2xf32>
    tpu.vector_store %arg8[%swap3A_51, %swap3A_52], %concatenate3A {strides = array<i32>} : memref<256x2xf32, #tpu.memory_space<vmem>>, vector<256x2xf32>,
    %broadcast_in_dim3A_54 = vector.shape_cast %argmax3A : vector<256xi32> to vector<256x1xi32>
    %broadcast_in_dim3A_55 = vector.shape_cast %argmax3A_47 : vector<256xi32> to vector<256x1xi32>
    %concatenate3A_56 = tpu.concatenate %broadcast_in_dim3A_54, %broadcast_in_dim3A_55 in 1 : vector<256x1xi32>, vector<256x1xi32> -> vector<256x2xi32>
    %swap3A_57 = arith.constant 0 : index
    %swap3A_58 = arith.constant 0 : index
    %swap3A_59 = vector.load %arg9[%swap3A_57, %swap3A_58] : memref<256x2xi32, #tpu.memory_space<vmem>>, vector<256x2xi32>
    tpu.vector_store %arg9[%swap3A_57, %swap3A_58], %concatenate3A_56 {strides = array<i32>} : memref<256x2xi32, #tpu.memory_space<vmem>>, vector<256x2xi32>,
    %reduce_sum3A_60 = arith.constant dense<0.000000e+00> : vector<8xf32>
    %reduce_sum3A_61 = vector.multi_reduction <add>, %div3A_40, %reduce_sum3A_60 [0] : vector<256x8xf32> to vector<8xf32>
    %broadcast_in_dim3A_62 = vector.shape_cast %reduce_sum3A_61 : vector<8xf32> to vector<1x8xf32>
    %eq3A_63 = arith.constant 0 : i32
    %eq3A_64 = arith.cmpi eq, %arg0, %eq3A_63 : i32
    %convert_element_type3A_65 = arith.extui %eq3A_64 : i1 to i32
    %cond3A = arith.constant 0 : i32
    %cond3A_66 = arith.cmpi ne, %convert_element_type3A_65, %cond3A : i32
    scf.if %cond3A_66 {
      %broadcast_in_dim3A_74 = arith.constant 0.000000e+00 : f32
      %broadcast_in_dim3A_75 = vector.broadcast %broadcast_in_dim3A_74 : f32 to vector<1x16xf32>
      %swap3A_76 = arith.constant 0 : index
      %swap3A_77 = arith.constant 0 : index
      %swap3A_78 = vector.load %arg10[%swap3A_76, %swap3A_77] : memref<1x16xf32, #tpu.memory_space<vmem>>, vector<1x16xf32>
      tpu.vector_store %arg10[%swap3A_76, %swap3A_77], %broadcast_in_dim3A_75 {strides = array<i32>} : memref<1x16xf32, #tpu.memory_space<vmem>>, vector<1x16xf32>,
    } else {
    }
    %get3A_67 = arith.constant 0 : index
    %get3A_68 = arith.constant 0 : index
    %get3A_69 = vector.load %arg10[%get3A_67, %get3A_68] : memref<1x16xf32, #tpu.memory_space<vmem>>, vector<1x8xf32>
    %add3A_70 = arith.addf %get3A_69, %broadcast_in_dim3A_62 : vector<1x8xf32>
    %swap3A_71 = arith.constant 0 : index
    %swap3A_72 = arith.constant 0 : index
    %swap3A_73 = vector.load %arg10[%swap3A_71, %swap3A_72] : memref<1x16xf32, #tpu.memory_space<vmem>>, vector<1x8xf32>
    tpu.vector_store %arg10[%swap3A_71, %swap3A_72], %add3A_70 {strides = array<i32>} : memref<1x16xf32, #tpu.memory_space<vmem>>, vector<1x8xf32>,
    return
  }
  func.func @transform_0(%arg0: i32) -> (i32, i32) {
    %c0_i32 = arith.constant 0 : i32
    %c0_i32_0 = arith.constant 0 : i32
    return %arg0, %c0_i32 : i32, i32
  }
  func.func @transform_1(%arg0: i32) -> (i32, i32) {
    %c0_i32 = arith.constant 0 : i32
    %c0_i32_0 = arith.constant 0 : i32
    return %arg0, %c0_i32 : i32, i32
  }
  func.func @transform_2(%arg0: i32) -> (i32, i32) {
    %c0_i32 = arith.constant 0 : i32
    %c0_i32_0 = arith.constant 0 : i32
    %c0_i32_1 = arith.constant 0 : i32
    return %c0_i32, %c0_i32_0 : i32, i32
  }
  func.func @transform_3(%arg0: i32) -> (i32, i32) {
    %c0_i32 = arith.constant 0 : i32
    %c0_i32_0 = arith.constant 0 : i32
    %c0_i32_1 = arith.constant 0 : i32
    return %c0_i32, %c0_i32_0 : i32, i32
  }
  func.func @transform_4(%arg0: i32) -> (i32, i32) {
    %c0_i32 = arith.constant 0 : i32
    %c0_i32_0 = arith.constant 0 : i32
    %c0_i32_1 = arith.constant 0 : i32
    return %c0_i32, %c0_i32_0 : i32, i32
  }
  func.func @transform_5(%arg0: i32) -> (i32, i32) {
    %c0_i32 = arith.constant 0 : i32
    %c0_i32_0 = arith.constant 0 : i32
    return %arg0, %c0_i32 : i32, i32
  }
  func.func @transform_6(%arg0: i32) -> (i32, i32) {
    %c0_i32 = arith.constant 0 : i32
    %c0_i32_0 = arith.constant 0 : i32
    return %arg0, %c0_i32 : i32, i32
  }
  func.func @transform_7(%arg0: i32) -> (i32, i32) {
    %c0_i32 = arith.constant 0 : i32
    %c0_i32_0 = arith.constant 0 : i32
    return %arg0, %c0_i32 : i32, i32
  }
  func.func @transform_8(%arg0: i32) -> (i32, i32) {
    %c0_i32 = arith.constant 0 : i32
    %c0_i32_0 = arith.constant 0 : i32
    return %arg0, %c0_i32 : i32, i32
  }
  func.func @transform_9(%arg0: i32) -> (i32, i32) {
    %c0_i32 = arith.constant 0 : i32
    %c0_i32_0 = arith.constant 0 : i32
    %c0_i32_1 = arith.constant 0 : i32
    return %c0_i32, %c0_i32_0 : i32, i32
  }
}

module attributes {stable_mosaic.version = 14 : i64} {
  func.func @_moe_kernel(%arg0: i32, %arg1: memref<2048x768xbf16, #tpu.memory_space<vmem>>, %arg2: memref<1x768x1536xf32, #tpu.memory_space<vmem>>, %arg3: memref<1x1x1536xf32, #tpu.memory_space<vmem>>, %arg4: memref<1x1536x768xf32, #tpu.memory_space<vmem>>, %arg5: memref<1x1x768xf32, #tpu.memory_space<vmem>>, %arg6: memref<2048x2xi32, #tpu.memory_space<vmem>>, %arg7: memref<2048x768xf32, #tpu.memory_space<vmem>>, %arg8: memref<2048x2xf32, #tpu.memory_space<vmem>>, %arg9: memref<2048x768xf32, #tpu.memory_space<vmem>>, %arg10: memref<2x2048x768xbf16, #tpu.memory_space<vmem>>) attributes {dimension_semantics = [#tpu.dimension_semantics<arbitrary>], iteration_bounds = array<i64: 8>, scalar_prefetch = 0 : i64, scratch_operands = 1 : i64, tpu.core_type = #tpu.core_type<tc>, window_params = [{pipeline_mode = #tpu.pipeline_mode<synchronous>, transform_indices = @transform_0, window_bounds = array<i64: 2048, 768>}, {transform_indices = @transform_1, window_bounds = array<i64: 1, 768, 1536>}, {transform_indices = @transform_2, window_bounds = array<i64: 1, 1, 1536>}, {transform_indices = @transform_3, window_bounds = array<i64: 1, 1536, 768>}, {transform_indices = @transform_4, window_bounds = array<i64: 1, 1, 768>}, {pipeline_mode = #tpu.pipeline_mode<synchronous>, transform_indices = @transform_5, window_bounds = array<i64: 2048, 2>}, {pipeline_mode = #tpu.pipeline_mode<synchronous>, transform_indices = @transform_6, window_bounds = array<i64: 2048, 768>}, {pipeline_mode = #tpu.pipeline_mode<synchronous>, transform_indices = @transform_7, window_bounds = array<i64: 2048, 2>}, {pipeline_mode = #tpu.pipeline_mode<synchronous>, transform_indices = @transform_8, window_bounds = array<i64: 2048, 768>}]} {
    %get3A = arith.constant 0 : index
    %get3A_0 = arith.constant 0 : index
    %get3A_1 = arith.constant 0 : index
    %get3A_2 = vector.load %arg2[%get3A, %get3A_0, %get3A_1] : memref<1x768x1536xf32, #tpu.memory_space<vmem>>, vector<1x768x1536xf32>
    %get3A_3 = vector.shape_cast %get3A_2 : vector<1x768x1536xf32> to vector<768x1536xf32>
    %convert_element_type3A = arith.truncf %get3A_3 : vector<768x1536xf32> to vector<768x1536xbf16>
    %get3A_4 = arith.constant 0 : index
    %get3A_5 = arith.constant 0 : index
    %get3A_6 = arith.constant 0 : index
    %get3A_7 = vector.load %arg4[%get3A_4, %get3A_5, %get3A_6] : memref<1x1536x768xf32, #tpu.memory_space<vmem>>, vector<1x1536x768xf32>
    %get3A_8 = vector.shape_cast %get3A_7 : vector<1x1536x768xf32> to vector<1536x768xf32>
    %convert_element_type3A_9 = arith.truncf %get3A_8 : vector<1536x768xf32> to vector<1536x768xbf16>
    %get3A_10 = arith.constant 0 : index
    %get3A_11 = arith.constant 0 : index
    %get3A_12 = vector.load %arg1[%get3A_10, %get3A_11] : memref<2048x768xbf16, #tpu.memory_space<vmem>>, vector<512x768xbf16>
    %dot_general3A = arith.constant dense<0.000000e+00> : vector<512x1536xf32>
    %dot_general3A_13 = tpu.matmul %get3A_12, %convert_element_type3A, %dot_general3A {dimension_numbers = #tpu.dot_dimension_numbers<[1], [0], [0], [1], [0, 0, 1, 1], [], []>, transpose_lhs_hint = false} : vector<512x768xbf16>, vector<768x1536xbf16>, vector<512x1536xf32> -> vector<512x1536xf32>
    %get3A_14 = arith.constant 0 : index
    %get3A_15 = arith.constant 0 : index
    %get3A_16 = arith.constant 0 : index
    %get3A_17 = vector.load %arg3[%get3A_14, %get3A_15, %get3A_16] : memref<1x1x1536xf32, #tpu.memory_space<vmem>>, vector<1x1x1536xf32>
    %get3A_18 = vector.shape_cast %get3A_17 : vector<1x1x1536xf32> to vector<1x1536xf32>
    %add3A = vector.broadcast %get3A_18 : vector<1x1536xf32> to vector<512x1536xf32>
    %add3A_19 = arith.addf %dot_general3A_13, %add3A : vector<512x1536xf32>
    %convert_element_type3A_20 = arith.truncf %add3A_19 : vector<512x1536xf32> to vector<512x1536xbf16>
    %integer_pow3A = arith.mulf %convert_element_type3A_20, %convert_element_type3A_20 : vector<512x1536xbf16>
    %integer_pow3A_21 = arith.mulf %convert_element_type3A_20, %integer_pow3A : vector<512x1536xbf16>
    %mul3A = arith.constant 4.467770e-02 : bf16
    %mul3A_22 = vector.broadcast %mul3A : bf16 to vector<512x1536xbf16>
    %mul3A_23 = arith.mulf %mul3A_22, %integer_pow3A_21 : vector<512x1536xbf16>
    %add3A_24 = arith.addf %convert_element_type3A_20, %mul3A_23 : vector<512x1536xbf16>
    %mul3A_25 = arith.constant 7.968750e-01 : bf16
    %mul3A_26 = vector.broadcast %mul3A_25 : bf16 to vector<512x1536xbf16>
    %mul3A_27 = arith.mulf %mul3A_26, %add3A_24 : vector<512x1536xbf16>
    %tanh3A = math.tanh %mul3A_27 : vector<512x1536xbf16>
    %add3A_28 = arith.constant 1.000000e+00 : bf16
    %add3A_29 = vector.broadcast %add3A_28 : bf16 to vector<512x1536xbf16>
    %add3A_30 = arith.addf %add3A_29, %tanh3A : vector<512x1536xbf16>
    %mul3A_31 = arith.constant 5.000000e-01 : bf16
    %mul3A_32 = vector.broadcast %mul3A_31 : bf16 to vector<512x1536xbf16>
    %mul3A_33 = arith.mulf %mul3A_32, %add3A_30 : vector<512x1536xbf16>
    %mul3A_34 = arith.mulf %convert_element_type3A_20, %mul3A_33 : vector<512x1536xbf16>
    %dot_general3A_35 = arith.constant dense<0.000000e+00> : vector<512x768xf32>
    %dot_general3A_36 = tpu.matmul %mul3A_34, %convert_element_type3A_9, %dot_general3A_35 {dimension_numbers = #tpu.dot_dimension_numbers<[1], [0], [0], [1], [0, 0, 1, 1], [], []>, transpose_lhs_hint = false} : vector<512x1536xbf16>, vector<1536x768xbf16>, vector<512x768xf32> -> vector<512x768xf32>
    %get3A_37 = arith.constant 0 : index
    %get3A_38 = arith.constant 0 : index
    %get3A_39 = arith.constant 0 : index
    %get3A_40 = vector.load %arg5[%get3A_37, %get3A_38, %get3A_39] : memref<1x1x768xf32, #tpu.memory_space<vmem>>, vector<1x1x768xf32>
    %get3A_41 = vector.shape_cast %get3A_40 : vector<1x1x768xf32> to vector<1x768xf32>
    %add3A_42 = vector.broadcast %get3A_41 : vector<1x768xf32> to vector<512x768xf32>
    %add3A_43 = arith.addf %dot_general3A_36, %add3A_42 : vector<512x768xf32>
    %convert_element_type3A_44 = arith.truncf %add3A_43 : vector<512x768xf32> to vector<512x768xbf16>
    %get3A_45 = arith.constant 0 : index
    %get3A_46 = arith.constant 0 : index
    %get3A_47 = vector.load %arg6[%get3A_45, %get3A_46] : memref<2048x2xi32, #tpu.memory_space<vmem>>, vector<512x1xi32>
    %eq3A = vector.broadcast %arg0 : i32 to vector<512x1xi32>
    %eq3A_48 = arith.cmpi eq, %get3A_47, %eq3A : vector<512x1xi32>
    %get3A_49 = arith.constant 0 : index
    %get3A_50 = arith.constant 1 : index
    %get3A_51 = vector.load %arg6[%get3A_49, %get3A_50] : memref<2048x2xi32, #tpu.memory_space<vmem>>, vector<512x1xi32>
    %eq3A_52 = vector.broadcast %arg0 : i32 to vector<512x1xi32>
    %eq3A_53 = arith.cmpi eq, %get3A_51, %eq3A_52 : vector<512x1xi32>
    %get3A_54 = arith.constant 0 : index
    %get3A_55 = arith.constant 0 : index
    %get3A_56 = arith.constant 0 : index
    %get3A_57 = vector.load %arg10[%get3A_54, %get3A_55, %get3A_56] : memref<2x2048x768xbf16, #tpu.memory_space<vmem>>, vector<1x512x768xbf16>
    %get3A_58 = vector.shape_cast %get3A_57 : vector<1x512x768xbf16> to vector<512x768xbf16>
    %broadcast_in_dim3A = vector.shape_cast %eq3A_48 : vector<512x1xi1> to vector<512x1xi1>
    %broadcast_in_dim3A_59 = vector.broadcast %broadcast_in_dim3A : vector<512x1xi1> to vector<512x768xi1>
    %select_n3A = arith.select %broadcast_in_dim3A_59, %convert_element_type3A_44, %get3A_58 : vector<512x768xi1>, vector<512x768xbf16>
    %swap3A = arith.constant 0 : index
    %swap3A_60 = arith.constant 0 : index
    %swap3A_61 = arith.constant 0 : index
    %swap3A_62 = vector.load %arg10[%swap3A, %swap3A_60, %swap3A_61] : memref<2x2048x768xbf16, #tpu.memory_space<vmem>>, vector<1x512x768xbf16>
    %swap3A_63 = vector.shape_cast %swap3A_62 : vector<1x512x768xbf16> to vector<512x768xbf16>
    %swap3A_64 = vector.shape_cast %select_n3A : vector<512x768xbf16> to vector<1x512x768xbf16>
    tpu.vector_store %arg10[%swap3A, %swap3A_60, %swap3A_61], %swap3A_64 {strides = array<i32>} : memref<2x2048x768xbf16, #tpu.memory_space<vmem>>, vector<1x512x768xbf16>,
    %get3A_65 = arith.constant 1 : index
    %get3A_66 = arith.constant 0 : index
    %get3A_67 = arith.constant 0 : index
    %get3A_68 = vector.load %arg10[%get3A_65, %get3A_66, %get3A_67] : memref<2x2048x768xbf16, #tpu.memory_space<vmem>>, vector<1x512x768xbf16>
    %get3A_69 = vector.shape_cast %get3A_68 : vector<1x512x768xbf16> to vector<512x768xbf16>
    %broadcast_in_dim3A_70 = vector.shape_cast %eq3A_53 : vector<512x1xi1> to vector<512x1xi1>
    %broadcast_in_dim3A_71 = vector.broadcast %broadcast_in_dim3A_70 : vector<512x1xi1> to vector<512x768xi1>
    %select_n3A_72 = arith.select %broadcast_in_dim3A_71, %convert_element_type3A_44, %get3A_69 : vector<512x768xi1>, vector<512x768xbf16>
    %swap3A_73 = arith.constant 1 : index
    %swap3A_74 = arith.constant 0 : index
    %swap3A_75 = arith.constant 0 : index
    %swap3A_76 = vector.load %arg10[%swap3A_73, %swap3A_74, %swap3A_75] : memref<2x2048x768xbf16, #tpu.memory_space<vmem>>, vector<1x512x768xbf16>
    %swap3A_77 = vector.shape_cast %swap3A_76 : vector<1x512x768xbf16> to vector<512x768xbf16>
    %swap3A_78 = vector.shape_cast %select_n3A_72 : vector<512x768xbf16> to vector<1x512x768xbf16>
    tpu.vector_store %arg10[%swap3A_73, %swap3A_74, %swap3A_75], %swap3A_78 {strides = array<i32>} : memref<2x2048x768xbf16, #tpu.memory_space<vmem>>, vector<1x512x768xbf16>,
    %get3A_79 = arith.constant 512 : index
    %get3A_80 = arith.constant 0 : index
    %get3A_81 = vector.load %arg1[%get3A_79, %get3A_80] : memref<2048x768xbf16, #tpu.memory_space<vmem>>, vector<512x768xbf16>
    %dot_general3A_82 = arith.constant dense<0.000000e+00> : vector<512x1536xf32>
    %dot_general3A_83 = tpu.matmul %get3A_81, %convert_element_type3A, %dot_general3A_82 {dimension_numbers = #tpu.dot_dimension_numbers<[1], [0], [0], [1], [0, 0, 1, 1], [], []>, transpose_lhs_hint = false} : vector<512x768xbf16>, vector<768x1536xbf16>, vector<512x1536xf32> -> vector<512x1536xf32>
    %get3A_84 = arith.constant 0 : index
    %get3A_85 = arith.constant 0 : index
    %get3A_86 = arith.constant 0 : index
    %get3A_87 = vector.load %arg3[%get3A_84, %get3A_85, %get3A_86] : memref<1x1x1536xf32, #tpu.memory_space<vmem>>, vector<1x1x1536xf32>
    %get3A_88 = vector.shape_cast %get3A_87 : vector<1x1x1536xf32> to vector<1x1536xf32>
    %add3A_89 = vector.broadcast %get3A_88 : vector<1x1536xf32> to vector<512x1536xf32>
    %add3A_90 = arith.addf %dot_general3A_83, %add3A_89 : vector<512x1536xf32>
    %convert_element_type3A_91 = arith.truncf %add3A_90 : vector<512x1536xf32> to vector<512x1536xbf16>
    %integer_pow3A_92 = arith.mulf %convert_element_type3A_91, %convert_element_type3A_91 : vector<512x1536xbf16>
    %integer_pow3A_93 = arith.mulf %convert_element_type3A_91, %integer_pow3A_92 : vector<512x1536xbf16>
    %mul3A_94 = arith.constant 4.467770e-02 : bf16
    %mul3A_95 = vector.broadcast %mul3A_94 : bf16 to vector<512x1536xbf16>
    %mul3A_96 = arith.mulf %mul3A_95, %integer_pow3A_93 : vector<512x1536xbf16>
    %add3A_97 = arith.addf %convert_element_type3A_91, %mul3A_96 : vector<512x1536xbf16>
    %mul3A_98 = arith.constant 7.968750e-01 : bf16
    %mul3A_99 = vector.broadcast %mul3A_98 : bf16 to vector<512x1536xbf16>
    %mul3A_100 = arith.mulf %mul3A_99, %add3A_97 : vector<512x1536xbf16>
    %tanh3A_101 = math.tanh %mul3A_100 : vector<512x1536xbf16>
    %add3A_102 = arith.constant 1.000000e+00 : bf16
    %add3A_103 = vector.broadcast %add3A_102 : bf16 to vector<512x1536xbf16>
    %add3A_104 = arith.addf %add3A_103, %tanh3A_101 : vector<512x1536xbf16>
    %mul3A_105 = arith.constant 5.000000e-01 : bf16
    %mul3A_106 = vector.broadcast %mul3A_105 : bf16 to vector<512x1536xbf16>
    %mul3A_107 = arith.mulf %mul3A_106, %add3A_104 : vector<512x1536xbf16>
    %mul3A_108 = arith.mulf %convert_element_type3A_91, %mul3A_107 : vector<512x1536xbf16>
    %dot_general3A_109 = arith.constant dense<0.000000e+00> : vector<512x768xf32>
    %dot_general3A_110 = tpu.matmul %mul3A_108, %convert_element_type3A_9, %dot_general3A_109 {dimension_numbers = #tpu.dot_dimension_numbers<[1], [0], [0], [1], [0, 0, 1, 1], [], []>, transpose_lhs_hint = false} : vector<512x1536xbf16>, vector<1536x768xbf16>, vector<512x768xf32> -> vector<512x768xf32>
    %get3A_111 = arith.constant 0 : index
    %get3A_112 = arith.constant 0 : index
    %get3A_113 = arith.constant 0 : index
    %get3A_114 = vector.load %arg5[%get3A_111, %get3A_112, %get3A_113] : memref<1x1x768xf32, #tpu.memory_space<vmem>>, vector<1x1x768xf32>
    %get3A_115 = vector.shape_cast %get3A_114 : vector<1x1x768xf32> to vector<1x768xf32>
    %add3A_116 = vector.broadcast %get3A_115 : vector<1x768xf32> to vector<512x768xf32>
    %add3A_117 = arith.addf %dot_general3A_110, %add3A_116 : vector<512x768xf32>
    %convert_element_type3A_118 = arith.truncf %add3A_117 : vector<512x768xf32> to vector<512x768xbf16>
    %get3A_119 = arith.constant 512 : index
    %get3A_120 = arith.constant 0 : index
    %get3A_121 = vector.load %arg6[%get3A_119, %get3A_120] : memref<2048x2xi32, #tpu.memory_space<vmem>>, vector<512x1xi32>
    %eq3A_122 = vector.broadcast %arg0 : i32 to vector<512x1xi32>
    %eq3A_123 = arith.cmpi eq, %get3A_121, %eq3A_122 : vector<512x1xi32>
    %get3A_124 = arith.constant 512 : index
    %get3A_125 = arith.constant 1 : index
    %get3A_126 = vector.load %arg6[%get3A_124, %get3A_125] : memref<2048x2xi32, #tpu.memory_space<vmem>>, vector<512x1xi32>
    %eq3A_127 = vector.broadcast %arg0 : i32 to vector<512x1xi32>
    %eq3A_128 = arith.cmpi eq, %get3A_126, %eq3A_127 : vector<512x1xi32>
    %get3A_129 = arith.constant 0 : index
    %get3A_130 = arith.constant 512 : index
    %get3A_131 = arith.constant 0 : index
    %get3A_132 = vector.load %arg10[%get3A_129, %get3A_130, %get3A_131] : memref<2x2048x768xbf16, #tpu.memory_space<vmem>>, vector<1x512x768xbf16>
    %get3A_133 = vector.shape_cast %get3A_132 : vector<1x512x768xbf16> to vector<512x768xbf16>
    %broadcast_in_dim3A_134 = vector.shape_cast %eq3A_123 : vector<512x1xi1> to vector<512x1xi1>
    %broadcast_in_dim3A_135 = vector.broadcast %broadcast_in_dim3A_134 : vector<512x1xi1> to vector<512x768xi1>
    %select_n3A_136 = arith.select %broadcast_in_dim3A_135, %convert_element_type3A_118, %get3A_133 : vector<512x768xi1>, vector<512x768xbf16>
    %swap3A_137 = arith.constant 0 : index
    %swap3A_138 = arith.constant 512 : index
    %swap3A_139 = arith.constant 0 : index
    %swap3A_140 = vector.load %arg10[%swap3A_137, %swap3A_138, %swap3A_139] : memref<2x2048x768xbf16, #tpu.memory_space<vmem>>, vector<1x512x768xbf16>
    %swap3A_141 = vector.shape_cast %swap3A_140 : vector<1x512x768xbf16> to vector<512x768xbf16>
    %swap3A_142 = vector.shape_cast %select_n3A_136 : vector<512x768xbf16> to vector<1x512x768xbf16>
    tpu.vector_store %arg10[%swap3A_137, %swap3A_138, %swap3A_139], %swap3A_142 {strides = array<i32>} : memref<2x2048x768xbf16, #tpu.memory_space<vmem>>, vector<1x512x768xbf16>,
    %get3A_143 = arith.constant 1 : index
    %get3A_144 = arith.constant 512 : index
    %get3A_145 = arith.constant 0 : index
    %get3A_146 = vector.load %arg10[%get3A_143, %get3A_144, %get3A_145] : memref<2x2048x768xbf16, #tpu.memory_space<vmem>>, vector<1x512x768xbf16>
    %get3A_147 = vector.shape_cast %get3A_146 : vector<1x512x768xbf16> to vector<512x768xbf16>
    %broadcast_in_dim3A_148 = vector.shape_cast %eq3A_128 : vector<512x1xi1> to vector<512x1xi1>
    %broadcast_in_dim3A_149 = vector.broadcast %broadcast_in_dim3A_148 : vector<512x1xi1> to vector<512x768xi1>
    %select_n3A_150 = arith.select %broadcast_in_dim3A_149, %convert_element_type3A_118, %get3A_147 : vector<512x768xi1>, vector<512x768xbf16>
    %swap3A_151 = arith.constant 1 : index
    %swap3A_152 = arith.constant 512 : index
    %swap3A_153 = arith.constant 0 : index
    %swap3A_154 = vector.load %arg10[%swap3A_151, %swap3A_152, %swap3A_153] : memref<2x2048x768xbf16, #tpu.memory_space<vmem>>, vector<1x512x768xbf16>
    %swap3A_155 = vector.shape_cast %swap3A_154 : vector<1x512x768xbf16> to vector<512x768xbf16>
    %swap3A_156 = vector.shape_cast %select_n3A_150 : vector<512x768xbf16> to vector<1x512x768xbf16>
    tpu.vector_store %arg10[%swap3A_151, %swap3A_152, %swap3A_153], %swap3A_156 {strides = array<i32>} : memref<2x2048x768xbf16, #tpu.memory_space<vmem>>, vector<1x512x768xbf16>,
    %get3A_157 = arith.constant 1024 : index
    %get3A_158 = arith.constant 0 : index
    %get3A_159 = vector.load %arg1[%get3A_157, %get3A_158] : memref<2048x768xbf16, #tpu.memory_space<vmem>>, vector<512x768xbf16>
    %dot_general3A_160 = arith.constant dense<0.000000e+00> : vector<512x1536xf32>
    %dot_general3A_161 = tpu.matmul %get3A_159, %convert_element_type3A, %dot_general3A_160 {dimension_numbers = #tpu.dot_dimension_numbers<[1], [0], [0], [1], [0, 0, 1, 1], [], []>, transpose_lhs_hint = false} : vector<512x768xbf16>, vector<768x1536xbf16>, vector<512x1536xf32> -> vector<512x1536xf32>
    %get3A_162 = arith.constant 0 : index
    %get3A_163 = arith.constant 0 : index
    %get3A_164 = arith.constant 0 : index
    %get3A_165 = vector.load %arg3[%get3A_162, %get3A_163, %get3A_164] : memref<1x1x1536xf32, #tpu.memory_space<vmem>>, vector<1x1x1536xf32>
    %get3A_166 = vector.shape_cast %get3A_165 : vector<1x1x1536xf32> to vector<1x1536xf32>
    %add3A_167 = vector.broadcast %get3A_166 : vector<1x1536xf32> to vector<512x1536xf32>
    %add3A_168 = arith.addf %dot_general3A_161, %add3A_167 : vector<512x1536xf32>
    %convert_element_type3A_169 = arith.truncf %add3A_168 : vector<512x1536xf32> to vector<512x1536xbf16>
    %integer_pow3A_170 = arith.mulf %convert_element_type3A_169, %convert_element_type3A_169 : vector<512x1536xbf16>
    %integer_pow3A_171 = arith.mulf %convert_element_type3A_169, %integer_pow3A_170 : vector<512x1536xbf16>
    %mul3A_172 = arith.constant 4.467770e-02 : bf16
    %mul3A_173 = vector.broadcast %mul3A_172 : bf16 to vector<512x1536xbf16>
    %mul3A_174 = arith.mulf %mul3A_173, %integer_pow3A_171 : vector<512x1536xbf16>
    %add3A_175 = arith.addf %convert_element_type3A_169, %mul3A_174 : vector<512x1536xbf16>
    %mul3A_176 = arith.constant 7.968750e-01 : bf16
    %mul3A_177 = vector.broadcast %mul3A_176 : bf16 to vector<512x1536xbf16>
    %mul3A_178 = arith.mulf %mul3A_177, %add3A_175 : vector<512x1536xbf16>
    %tanh3A_179 = math.tanh %mul3A_178 : vector<512x1536xbf16>
    %add3A_180 = arith.constant 1.000000e+00 : bf16
    %add3A_181 = vector.broadcast %add3A_180 : bf16 to vector<512x1536xbf16>
    %add3A_182 = arith.addf %add3A_181, %tanh3A_179 : vector<512x1536xbf16>
    %mul3A_183 = arith.constant 5.000000e-01 : bf16
    %mul3A_184 = vector.broadcast %mul3A_183 : bf16 to vector<512x1536xbf16>
    %mul3A_185 = arith.mulf %mul3A_184, %add3A_182 : vector<512x1536xbf16>
    %mul3A_186 = arith.mulf %convert_element_type3A_169, %mul3A_185 : vector<512x1536xbf16>
    %dot_general3A_187 = arith.constant dense<0.000000e+00> : vector<512x768xf32>
    %dot_general3A_188 = tpu.matmul %mul3A_186, %convert_element_type3A_9, %dot_general3A_187 {dimension_numbers = #tpu.dot_dimension_numbers<[1], [0], [0], [1], [0, 0, 1, 1], [], []>, transpose_lhs_hint = false} : vector<512x1536xbf16>, vector<1536x768xbf16>, vector<512x768xf32> -> vector<512x768xf32>
    %get3A_189 = arith.constant 0 : index
    %get3A_190 = arith.constant 0 : index
    %get3A_191 = arith.constant 0 : index
    %get3A_192 = vector.load %arg5[%get3A_189, %get3A_190, %get3A_191] : memref<1x1x768xf32, #tpu.memory_space<vmem>>, vector<1x1x768xf32>
    %get3A_193 = vector.shape_cast %get3A_192 : vector<1x1x768xf32> to vector<1x768xf32>
    %add3A_194 = vector.broadcast %get3A_193 : vector<1x768xf32> to vector<512x768xf32>
    %add3A_195 = arith.addf %dot_general3A_188, %add3A_194 : vector<512x768xf32>
    %convert_element_type3A_196 = arith.truncf %add3A_195 : vector<512x768xf32> to vector<512x768xbf16>
    %get3A_197 = arith.constant 1024 : index
    %get3A_198 = arith.constant 0 : index
    %get3A_199 = vector.load %arg6[%get3A_197, %get3A_198] : memref<2048x2xi32, #tpu.memory_space<vmem>>, vector<512x1xi32>
    %eq3A_200 = vector.broadcast %arg0 : i32 to vector<512x1xi32>
    %eq3A_201 = arith.cmpi eq, %get3A_199, %eq3A_200 : vector<512x1xi32>
    %get3A_202 = arith.constant 1024 : index
    %get3A_203 = arith.constant 1 : index
    %get3A_204 = vector.load %arg6[%get3A_202, %get3A_203] : memref<2048x2xi32, #tpu.memory_space<vmem>>, vector<512x1xi32>
    %eq3A_205 = vector.broadcast %arg0 : i32 to vector<512x1xi32>
    %eq3A_206 = arith.cmpi eq, %get3A_204, %eq3A_205 : vector<512x1xi32>
    %get3A_207 = arith.constant 0 : index
    %get3A_208 = arith.constant 1024 : index
    %get3A_209 = arith.constant 0 : index
    %get3A_210 = vector.load %arg10[%get3A_207, %get3A_208, %get3A_209] : memref<2x2048x768xbf16, #tpu.memory_space<vmem>>, vector<1x512x768xbf16>
    %get3A_211 = vector.shape_cast %get3A_210 : vector<1x512x768xbf16> to vector<512x768xbf16>
    %broadcast_in_dim3A_212 = vector.shape_cast %eq3A_201 : vector<512x1xi1> to vector<512x1xi1>
    %broadcast_in_dim3A_213 = vector.broadcast %broadcast_in_dim3A_212 : vector<512x1xi1> to vector<512x768xi1>
    %select_n3A_214 = arith.select %broadcast_in_dim3A_213, %convert_element_type3A_196, %get3A_211 : vector<512x768xi1>, vector<512x768xbf16>
    %swap3A_215 = arith.constant 0 : index
    %swap3A_216 = arith.constant 1024 : index
    %swap3A_217 = arith.constant 0 : index
    %swap3A_218 = vector.load %arg10[%swap3A_215, %swap3A_216, %swap3A_217] : memref<2x2048x768xbf16, #tpu.memory_space<vmem>>, vector<1x512x768xbf16>
    %swap3A_219 = vector.shape_cast %swap3A_218 : vector<1x512x768xbf16> to vector<512x768xbf16>
    %swap3A_220 = vector.shape_cast %select_n3A_214 : vector<512x768xbf16> to vector<1x512x768xbf16>
    tpu.vector_store %arg10[%swap3A_215, %swap3A_216, %swap3A_217], %swap3A_220 {strides = array<i32>} : memref<2x2048x768xbf16, #tpu.memory_space<vmem>>, vector<1x512x768xbf16>,
    %get3A_221 = arith.constant 1 : index
    %get3A_222 = arith.constant 1024 : index
    %get3A_223 = arith.constant 0 : index
    %get3A_224 = vector.load %arg10[%get3A_221, %get3A_222, %get3A_223] : memref<2x2048x768xbf16, #tpu.memory_space<vmem>>, vector<1x512x768xbf16>
    %get3A_225 = vector.shape_cast %get3A_224 : vector<1x512x768xbf16> to vector<512x768xbf16>
    %broadcast_in_dim3A_226 = vector.shape_cast %eq3A_206 : vector<512x1xi1> to vector<512x1xi1>
    %broadcast_in_dim3A_227 = vector.broadcast %broadcast_in_dim3A_226 : vector<512x1xi1> to vector<512x768xi1>
    %select_n3A_228 = arith.select %broadcast_in_dim3A_227, %convert_element_type3A_196, %get3A_225 : vector<512x768xi1>, vector<512x768xbf16>
    %swap3A_229 = arith.constant 1 : index
    %swap3A_230 = arith.constant 1024 : index
    %swap3A_231 = arith.constant 0 : index
    %swap3A_232 = vector.load %arg10[%swap3A_229, %swap3A_230, %swap3A_231] : memref<2x2048x768xbf16, #tpu.memory_space<vmem>>, vector<1x512x768xbf16>
    %swap3A_233 = vector.shape_cast %swap3A_232 : vector<1x512x768xbf16> to vector<512x768xbf16>
    %swap3A_234 = vector.shape_cast %select_n3A_228 : vector<512x768xbf16> to vector<1x512x768xbf16>
    tpu.vector_store %arg10[%swap3A_229, %swap3A_230, %swap3A_231], %swap3A_234 {strides = array<i32>} : memref<2x2048x768xbf16, #tpu.memory_space<vmem>>, vector<1x512x768xbf16>,
    %get3A_235 = arith.constant 1536 : index
    %get3A_236 = arith.constant 0 : index
    %get3A_237 = vector.load %arg1[%get3A_235, %get3A_236] : memref<2048x768xbf16, #tpu.memory_space<vmem>>, vector<512x768xbf16>
    %dot_general3A_238 = arith.constant dense<0.000000e+00> : vector<512x1536xf32>
    %dot_general3A_239 = tpu.matmul %get3A_237, %convert_element_type3A, %dot_general3A_238 {dimension_numbers = #tpu.dot_dimension_numbers<[1], [0], [0], [1], [0, 0, 1, 1], [], []>, transpose_lhs_hint = false} : vector<512x768xbf16>, vector<768x1536xbf16>, vector<512x1536xf32> -> vector<512x1536xf32>
    %get3A_240 = arith.constant 0 : index
    %get3A_241 = arith.constant 0 : index
    %get3A_242 = arith.constant 0 : index
    %get3A_243 = vector.load %arg3[%get3A_240, %get3A_241, %get3A_242] : memref<1x1x1536xf32, #tpu.memory_space<vmem>>, vector<1x1x1536xf32>
    %get3A_244 = vector.shape_cast %get3A_243 : vector<1x1x1536xf32> to vector<1x1536xf32>
    %add3A_245 = vector.broadcast %get3A_244 : vector<1x1536xf32> to vector<512x1536xf32>
    %add3A_246 = arith.addf %dot_general3A_239, %add3A_245 : vector<512x1536xf32>
    %convert_element_type3A_247 = arith.truncf %add3A_246 : vector<512x1536xf32> to vector<512x1536xbf16>
    %integer_pow3A_248 = arith.mulf %convert_element_type3A_247, %convert_element_type3A_247 : vector<512x1536xbf16>
    %integer_pow3A_249 = arith.mulf %convert_element_type3A_247, %integer_pow3A_248 : vector<512x1536xbf16>
    %mul3A_250 = arith.constant 4.467770e-02 : bf16
    %mul3A_251 = vector.broadcast %mul3A_250 : bf16 to vector<512x1536xbf16>
    %mul3A_252 = arith.mulf %mul3A_251, %integer_pow3A_249 : vector<512x1536xbf16>
    %add3A_253 = arith.addf %convert_element_type3A_247, %mul3A_252 : vector<512x1536xbf16>
    %mul3A_254 = arith.constant 7.968750e-01 : bf16
    %mul3A_255 = vector.broadcast %mul3A_254 : bf16 to vector<512x1536xbf16>
    %mul3A_256 = arith.mulf %mul3A_255, %add3A_253 : vector<512x1536xbf16>
    %tanh3A_257 = math.tanh %mul3A_256 : vector<512x1536xbf16>
    %add3A_258 = arith.constant 1.000000e+00 : bf16
    %add3A_259 = vector.broadcast %add3A_258 : bf16 to vector<512x1536xbf16>
    %add3A_260 = arith.addf %add3A_259, %tanh3A_257 : vector<512x1536xbf16>
    %mul3A_261 = arith.constant 5.000000e-01 : bf16
    %mul3A_262 = vector.broadcast %mul3A_261 : bf16 to vector<512x1536xbf16>
    %mul3A_263 = arith.mulf %mul3A_262, %add3A_260 : vector<512x1536xbf16>
    %mul3A_264 = arith.mulf %convert_element_type3A_247, %mul3A_263 : vector<512x1536xbf16>
    %dot_general3A_265 = arith.constant dense<0.000000e+00> : vector<512x768xf32>
    %dot_general3A_266 = tpu.matmul %mul3A_264, %convert_element_type3A_9, %dot_general3A_265 {dimension_numbers = #tpu.dot_dimension_numbers<[1], [0], [0], [1], [0, 0, 1, 1], [], []>, transpose_lhs_hint = false} : vector<512x1536xbf16>, vector<1536x768xbf16>, vector<512x768xf32> -> vector<512x768xf32>
    %get3A_267 = arith.constant 0 : index
    %get3A_268 = arith.constant 0 : index
    %get3A_269 = arith.constant 0 : index
    %get3A_270 = vector.load %arg5[%get3A_267, %get3A_268, %get3A_269] : memref<1x1x768xf32, #tpu.memory_space<vmem>>, vector<1x1x768xf32>
    %get3A_271 = vector.shape_cast %get3A_270 : vector<1x1x768xf32> to vector<1x768xf32>
    %add3A_272 = vector.broadcast %get3A_271 : vector<1x768xf32> to vector<512x768xf32>
    %add3A_273 = arith.addf %dot_general3A_266, %add3A_272 : vector<512x768xf32>
    %convert_element_type3A_274 = arith.truncf %add3A_273 : vector<512x768xf32> to vector<512x768xbf16>
    %get3A_275 = arith.constant 1536 : index
    %get3A_276 = arith.constant 0 : index
    %get3A_277 = vector.load %arg6[%get3A_275, %get3A_276] : memref<2048x2xi32, #tpu.memory_space<vmem>>, vector<512x1xi32>
    %eq3A_278 = vector.broadcast %arg0 : i32 to vector<512x1xi32>
    %eq3A_279 = arith.cmpi eq, %get3A_277, %eq3A_278 : vector<512x1xi32>
    %get3A_280 = arith.constant 1536 : index
    %get3A_281 = arith.constant 1 : index
    %get3A_282 = vector.load %arg6[%get3A_280, %get3A_281] : memref<2048x2xi32, #tpu.memory_space<vmem>>, vector<512x1xi32>
    %eq3A_283 = vector.broadcast %arg0 : i32 to vector<512x1xi32>
    %eq3A_284 = arith.cmpi eq, %get3A_282, %eq3A_283 : vector<512x1xi32>
    %get3A_285 = arith.constant 0 : index
    %get3A_286 = arith.constant 1536 : index
    %get3A_287 = arith.constant 0 : index
    %get3A_288 = vector.load %arg10[%get3A_285, %get3A_286, %get3A_287] : memref<2x2048x768xbf16, #tpu.memory_space<vmem>>, vector<1x512x768xbf16>
    %get3A_289 = vector.shape_cast %get3A_288 : vector<1x512x768xbf16> to vector<512x768xbf16>
    %broadcast_in_dim3A_290 = vector.shape_cast %eq3A_279 : vector<512x1xi1> to vector<512x1xi1>
    %broadcast_in_dim3A_291 = vector.broadcast %broadcast_in_dim3A_290 : vector<512x1xi1> to vector<512x768xi1>
    %select_n3A_292 = arith.select %broadcast_in_dim3A_291, %convert_element_type3A_274, %get3A_289 : vector<512x768xi1>, vector<512x768xbf16>
    %swap3A_293 = arith.constant 0 : index
    %swap3A_294 = arith.constant 1536 : index
    %swap3A_295 = arith.constant 0 : index
    %swap3A_296 = vector.load %arg10[%swap3A_293, %swap3A_294, %swap3A_295] : memref<2x2048x768xbf16, #tpu.memory_space<vmem>>, vector<1x512x768xbf16>
    %swap3A_297 = vector.shape_cast %swap3A_296 : vector<1x512x768xbf16> to vector<512x768xbf16>
    %swap3A_298 = vector.shape_cast %select_n3A_292 : vector<512x768xbf16> to vector<1x512x768xbf16>
    tpu.vector_store %arg10[%swap3A_293, %swap3A_294, %swap3A_295], %swap3A_298 {strides = array<i32>} : memref<2x2048x768xbf16, #tpu.memory_space<vmem>>, vector<1x512x768xbf16>,
    %get3A_299 = arith.constant 1 : index
    %get3A_300 = arith.constant 1536 : index
    %get3A_301 = arith.constant 0 : index
    %get3A_302 = vector.load %arg10[%get3A_299, %get3A_300, %get3A_301] : memref<2x2048x768xbf16, #tpu.memory_space<vmem>>, vector<1x512x768xbf16>
    %get3A_303 = vector.shape_cast %get3A_302 : vector<1x512x768xbf16> to vector<512x768xbf16>
    %broadcast_in_dim3A_304 = vector.shape_cast %eq3A_284 : vector<512x1xi1> to vector<512x1xi1>
    %broadcast_in_dim3A_305 = vector.broadcast %broadcast_in_dim3A_304 : vector<512x1xi1> to vector<512x768xi1>
    %select_n3A_306 = arith.select %broadcast_in_dim3A_305, %convert_element_type3A_274, %get3A_303 : vector<512x768xi1>, vector<512x768xbf16>
    %swap3A_307 = arith.constant 1 : index
    %swap3A_308 = arith.constant 1536 : index
    %swap3A_309 = arith.constant 0 : index
    %swap3A_310 = vector.load %arg10[%swap3A_307, %swap3A_308, %swap3A_309] : memref<2x2048x768xbf16, #tpu.memory_space<vmem>>, vector<1x512x768xbf16>
    %swap3A_311 = vector.shape_cast %swap3A_310 : vector<1x512x768xbf16> to vector<512x768xbf16>
    %swap3A_312 = vector.shape_cast %select_n3A_306 : vector<512x768xbf16> to vector<1x512x768xbf16>
    tpu.vector_store %arg10[%swap3A_307, %swap3A_308, %swap3A_309], %swap3A_312 {strides = array<i32>} : memref<2x2048x768xbf16, #tpu.memory_space<vmem>>, vector<1x512x768xbf16>,
    %eq3A_313 = arith.constant 7 : i32
    %eq3A_314 = arith.cmpi eq, %arg0, %eq3A_313 : i32
    %convert_element_type3A_315 = arith.extui %eq3A_314 : i1 to i32
    %cond3A = arith.constant 0 : i32
    %cond3A_316 = arith.cmpi ne, %convert_element_type3A_315, %cond3A : i32
    scf.if %cond3A_316 {
      %get3A_317 = arith.constant 0 : index
      %get3A_318 = arith.constant 0 : index
      %get3A_319 = vector.load %arg8[%get3A_317, %get3A_318] : memref<2048x2xf32, #tpu.memory_space<vmem>>, vector<256x2xf32>
      %get3A_320 = arith.constant 0 : index
      %get3A_321 = arith.constant 0 : index
      %get3A_322 = arith.constant 0 : index
      %get3A_323 = vector.load %arg10[%get3A_320, %get3A_321, %get3A_322] : memref<2x2048x768xbf16, #tpu.memory_space<vmem>>, vector<1x128x768xbf16>
      %get3A_324 = vector.shape_cast %get3A_323 : vector<1x128x768xbf16> to vector<128x768xbf16>
      %broadcast_in_dim3A_325 = vector.shape_cast %get3A_324 : vector<128x768xbf16> to vector<128x1x768xbf16>
      %get3A_326 = arith.constant 1 : index
      %get3A_327 = arith.constant 0 : index
      %get3A_328 = arith.constant 0 : index
      %get3A_329 = vector.load %arg10[%get3A_326, %get3A_327, %get3A_328] : memref<2x2048x768xbf16, #tpu.memory_space<vmem>>, vector<1x128x768xbf16>
      %get3A_330 = vector.shape_cast %get3A_329 : vector<1x128x768xbf16> to vector<128x768xbf16>
      %broadcast_in_dim3A_331 = vector.shape_cast %get3A_330 : vector<128x768xbf16> to vector<128x1x768xbf16>
      %concatenate3A = tpu.concatenate %broadcast_in_dim3A_325, %broadcast_in_dim3A_331 in 1 : vector<128x1x768xbf16>, vector<128x1x768xbf16> -> vector<128x2x768xbf16>
      %reshape3A = vector.shape_cast %concatenate3A : vector<128x2x768xbf16> to vector<256x768xbf16>
      %convert_element_type3A_332 = arith.extf %reshape3A : vector<256x768xbf16> to vector<256x768xf32>
      %get3A_333 = arith.constant 0 : index
      %get3A_334 = arith.constant 1024 : index
      %get3A_335 = arith.constant 0 : index
      %get3A_336 = vector.load %arg10[%get3A_333, %get3A_334, %get3A_335] : memref<2x2048x768xbf16, #tpu.memory_space<vmem>>, vector<1x128x768xbf16>
      %get3A_337 = vector.shape_cast %get3A_336 : vector<1x128x768xbf16> to vector<128x768xbf16>
      %broadcast_in_dim3A_338 = vector.shape_cast %get3A_337 : vector<128x768xbf16> to vector<128x1x768xbf16>
      %get3A_339 = arith.constant 1 : index
      %get3A_340 = arith.constant 1024 : index
      %get3A_341 = arith.constant 0 : index
      %get3A_342 = vector.load %arg10[%get3A_339, %get3A_340, %get3A_341] : memref<2x2048x768xbf16, #tpu.memory_space<vmem>>, vector<1x128x768xbf16>
      %get3A_343 = vector.shape_cast %get3A_342 : vector<1x128x768xbf16> to vector<128x768xbf16>
      %broadcast_in_dim3A_344 = vector.shape_cast %get3A_343 : vector<128x768xbf16> to vector<128x1x768xbf16>
      %concatenate3A_345 = tpu.concatenate %broadcast_in_dim3A_338, %broadcast_in_dim3A_344 in 1 : vector<128x1x768xbf16>, vector<128x1x768xbf16> -> vector<128x2x768xbf16>
      %reshape3A_346 = vector.shape_cast %concatenate3A_345 : vector<128x2x768xbf16> to vector<256x768xbf16>
      %convert_element_type3A_347 = arith.extf %reshape3A_346 : vector<256x768xbf16> to vector<256x768xf32>
      %get3A_348 = arith.constant 0 : index
      %get3A_349 = arith.constant 0 : index
      %get3A_350 = vector.load %arg7[%get3A_348, %get3A_349] : memref<2048x768xf32, #tpu.memory_space<vmem>>, vector<256x768xf32>
      %slice3A = vector.extract_strided_slice %get3A_319 {offsets = [0, 0], sizes = [256, 1], strides = [1, 1]} : vector<256x2xf32> to vector<256x1xf32>
      %mul3A_351 = vector.broadcast %slice3A : vector<256x1xf32> to vector<256x768xf32>
      %mul3A_352 = arith.mulf %mul3A_351, %convert_element_type3A_332 : vector<256x768xf32>
      %add3A_353 = arith.addf %get3A_350, %mul3A_352 : vector<256x768xf32>
      %slice3A_354 = vector.extract_strided_slice %get3A_319 {offsets = [0, 1], sizes = [256, 1], strides = [1, 1]} : vector<256x2xf32> to vector<256x1xf32>
      %mul3A_355 = vector.broadcast %slice3A_354 : vector<256x1xf32> to vector<256x768xf32>
      %mul3A_356 = arith.mulf %mul3A_355, %convert_element_type3A_347 : vector<256x768xf32>
      %add3A_357 = arith.addf %add3A_353, %mul3A_356 : vector<256x768xf32>
      %swap3A_358 = arith.constant 0 : index
      %swap3A_359 = arith.constant 0 : index
      %swap3A_360 = vector.load %arg9[%swap3A_358, %swap3A_359] : memref<2048x768xf32, #tpu.memory_space<vmem>>, vector<256x768xf32>
      tpu.vector_store %arg9[%swap3A_358, %swap3A_359], %add3A_357 {strides = array<i32>} : memref<2048x768xf32, #tpu.memory_space<vmem>>, vector<256x768xf32>,
      %get3A_361 = arith.constant 256 : index
      %get3A_362 = arith.constant 0 : index
      %get3A_363 = vector.load %arg8[%get3A_361, %get3A_362] : memref<2048x2xf32, #tpu.memory_space<vmem>>, vector<256x2xf32>
      %get3A_364 = arith.constant 0 : index
      %get3A_365 = arith.constant 128 : index
      %get3A_366 = arith.constant 0 : index
      %get3A_367 = vector.load %arg10[%get3A_364, %get3A_365, %get3A_366] : memref<2x2048x768xbf16, #tpu.memory_space<vmem>>, vector<1x128x768xbf16>
      %get3A_368 = vector.shape_cast %get3A_367 : vector<1x128x768xbf16> to vector<128x768xbf16>
      %broadcast_in_dim3A_369 = vector.shape_cast %get3A_368 : vector<128x768xbf16> to vector<128x1x768xbf16>
      %get3A_370 = arith.constant 1 : index
      %get3A_371 = arith.constant 128 : index
      %get3A_372 = arith.constant 0 : index
      %get3A_373 = vector.load %arg10[%get3A_370, %get3A_371, %get3A_372] : memref<2x2048x768xbf16, #tpu.memory_space<vmem>>, vector<1x128x768xbf16>
      %get3A_374 = vector.shape_cast %get3A_373 : vector<1x128x768xbf16> to vector<128x768xbf16>
      %broadcast_in_dim3A_375 = vector.shape_cast %get3A_374 : vector<128x768xbf16> to vector<128x1x768xbf16>
      %concatenate3A_376 = tpu.concatenate %broadcast_in_dim3A_369, %broadcast_in_dim3A_375 in 1 : vector<128x1x768xbf16>, vector<128x1x768xbf16> -> vector<128x2x768xbf16>
      %reshape3A_377 = vector.shape_cast %concatenate3A_376 : vector<128x2x768xbf16> to vector<256x768xbf16>
      %convert_element_type3A_378 = arith.extf %reshape3A_377 : vector<256x768xbf16> to vector<256x768xf32>
      %get3A_379 = arith.constant 0 : index
      %get3A_380 = arith.constant 1152 : index
      %get3A_381 = arith.constant 0 : index
      %get3A_382 = vector.load %arg10[%get3A_379, %get3A_380, %get3A_381] : memref<2x2048x768xbf16, #tpu.memory_space<vmem>>, vector<1x128x768xbf16>
      %get3A_383 = vector.shape_cast %get3A_382 : vector<1x128x768xbf16> to vector<128x768xbf16>
      %broadcast_in_dim3A_384 = vector.shape_cast %get3A_383 : vector<128x768xbf16> to vector<128x1x768xbf16>
      %get3A_385 = arith.constant 1 : index
      %get3A_386 = arith.constant 1152 : index
      %get3A_387 = arith.constant 0 : index
      %get3A_388 = vector.load %arg10[%get3A_385, %get3A_386, %get3A_387] : memref<2x2048x768xbf16, #tpu.memory_space<vmem>>, vector<1x128x768xbf16>
      %get3A_389 = vector.shape_cast %get3A_388 : vector<1x128x768xbf16> to vector<128x768xbf16>
      %broadcast_in_dim3A_390 = vector.shape_cast %get3A_389 : vector<128x768xbf16> to vector<128x1x768xbf16>
      %concatenate3A_391 = tpu.concatenate %broadcast_in_dim3A_384, %broadcast_in_dim3A_390 in 1 : vector<128x1x768xbf16>, vector<128x1x768xbf16> -> vector<128x2x768xbf16>
      %reshape3A_392 = vector.shape_cast %concatenate3A_391 : vector<128x2x768xbf16> to vector<256x768xbf16>
      %convert_element_type3A_393 = arith.extf %reshape3A_392 : vector<256x768xbf16> to vector<256x768xf32>
      %get3A_394 = arith.constant 256 : index
      %get3A_395 = arith.constant 0 : index
      %get3A_396 = vector.load %arg7[%get3A_394, %get3A_395] : memref<2048x768xf32, #tpu.memory_space<vmem>>, vector<256x768xf32>
      %slice3A_397 = vector.extract_strided_slice %get3A_363 {offsets = [0, 0], sizes = [256, 1], strides = [1, 1]} : vector<256x2xf32> to vector<256x1xf32>
      %mul3A_398 = vector.broadcast %slice3A_397 : vector<256x1xf32> to vector<256x768xf32>
      %mul3A_399 = arith.mulf %mul3A_398, %convert_element_type3A_378 : vector<256x768xf32>
      %add3A_400 = arith.addf %get3A_396, %mul3A_399 : vector<256x768xf32>
      %slice3A_401 = vector.extract_strided_slice %get3A_363 {offsets = [0, 1], sizes = [256, 1], strides = [1, 1]} : vector<256x2xf32> to vector<256x1xf32>
      %mul3A_402 = vector.broadcast %slice3A_401 : vector<256x1xf32> to vector<256x768xf32>
      %mul3A_403 = arith.mulf %mul3A_402, %convert_element_type3A_393 : vector<256x768xf32>
      %add3A_404 = arith.addf %add3A_400, %mul3A_403 : vector<256x768xf32>
      %swap3A_405 = arith.constant 256 : index
      %swap3A_406 = arith.constant 0 : index
      %swap3A_407 = vector.load %arg9[%swap3A_405, %swap3A_406] : memref<2048x768xf32, #tpu.memory_space<vmem>>, vector<256x768xf32>
      tpu.vector_store %arg9[%swap3A_405, %swap3A_406], %add3A_404 {strides = array<i32>} : memref<2048x768xf32, #tpu.memory_space<vmem>>, vector<256x768xf32>,
      %get3A_408 = arith.constant 512 : index
      %get3A_409 = arith.constant 0 : index
      %get3A_410 = vector.load %arg8[%get3A_408, %get3A_409] : memref<2048x2xf32, #tpu.memory_space<vmem>>, vector<256x2xf32>
      %get3A_411 = arith.constant 0 : index
      %get3A_412 = arith.constant 256 : index
      %get3A_413 = arith.constant 0 : index
      %get3A_414 = vector.load %arg10[%get3A_411, %get3A_412, %get3A_413] : memref<2x2048x768xbf16, #tpu.memory_space<vmem>>, vector<1x128x768xbf16>
      %get3A_415 = vector.shape_cast %get3A_414 : vector<1x128x768xbf16> to vector<128x768xbf16>
      %broadcast_in_dim3A_416 = vector.shape_cast %get3A_415 : vector<128x768xbf16> to vector<128x1x768xbf16>
      %get3A_417 = arith.constant 1 : index
      %get3A_418 = arith.constant 256 : index
      %get3A_419 = arith.constant 0 : index
      %get3A_420 = vector.load %arg10[%get3A_417, %get3A_418, %get3A_419] : memref<2x2048x768xbf16, #tpu.memory_space<vmem>>, vector<1x128x768xbf16>
      %get3A_421 = vector.shape_cast %get3A_420 : vector<1x128x768xbf16> to vector<128x768xbf16>
      %broadcast_in_dim3A_422 = vector.shape_cast %get3A_421 : vector<128x768xbf16> to vector<128x1x768xbf16>
      %concatenate3A_423 = tpu.concatenate %broadcast_in_dim3A_416, %broadcast_in_dim3A_422 in 1 : vector<128x1x768xbf16>, vector<128x1x768xbf16> -> vector<128x2x768xbf16>
      %reshape3A_424 = vector.shape_cast %concatenate3A_423 : vector<128x2x768xbf16> to vector<256x768xbf16>
      %convert_element_type3A_425 = arith.extf %reshape3A_424 : vector<256x768xbf16> to vector<256x768xf32>
      %get3A_426 = arith.constant 0 : index
      %get3A_427 = arith.constant 1280 : index
      %get3A_428 = arith.constant 0 : index
      %get3A_429 = vector.load %arg10[%get3A_426, %get3A_427, %get3A_428] : memref<2x2048x768xbf16, #tpu.memory_space<vmem>>, vector<1x128x768xbf16>
      %get3A_430 = vector.shape_cast %get3A_429 : vector<1x128x768xbf16> to vector<128x768xbf16>
      %broadcast_in_dim3A_431 = vector.shape_cast %get3A_430 : vector<128x768xbf16> to vector<128x1x768xbf16>
      %get3A_432 = arith.constant 1 : index
      %get3A_433 = arith.constant 1280 : index
      %get3A_434 = arith.constant 0 : index
      %get3A_435 = vector.load %arg10[%get3A_432, %get3A_433, %get3A_434] : memref<2x2048x768xbf16, #tpu.memory_space<vmem>>, vector<1x128x768xbf16>
      %get3A_436 = vector.shape_cast %get3A_435 : vector<1x128x768xbf16> to vector<128x768xbf16>
      %broadcast_in_dim3A_437 = vector.shape_cast %get3A_436 : vector<128x768xbf16> to vector<128x1x768xbf16>
      %concatenate3A_438 = tpu.concatenate %broadcast_in_dim3A_431, %broadcast_in_dim3A_437 in 1 : vector<128x1x768xbf16>, vector<128x1x768xbf16> -> vector<128x2x768xbf16>
      %reshape3A_439 = vector.shape_cast %concatenate3A_438 : vector<128x2x768xbf16> to vector<256x768xbf16>
      %convert_element_type3A_440 = arith.extf %reshape3A_439 : vector<256x768xbf16> to vector<256x768xf32>
      %get3A_441 = arith.constant 512 : index
      %get3A_442 = arith.constant 0 : index
      %get3A_443 = vector.load %arg7[%get3A_441, %get3A_442] : memref<2048x768xf32, #tpu.memory_space<vmem>>, vector<256x768xf32>
      %slice3A_444 = vector.extract_strided_slice %get3A_410 {offsets = [0, 0], sizes = [256, 1], strides = [1, 1]} : vector<256x2xf32> to vector<256x1xf32>
      %mul3A_445 = vector.broadcast %slice3A_444 : vector<256x1xf32> to vector<256x768xf32>
      %mul3A_446 = arith.mulf %mul3A_445, %convert_element_type3A_425 : vector<256x768xf32>
      %add3A_447 = arith.addf %get3A_443, %mul3A_446 : vector<256x768xf32>
      %slice3A_448 = vector.extract_strided_slice %get3A_410 {offsets = [0, 1], sizes = [256, 1], strides = [1, 1]} : vector<256x2xf32> to vector<256x1xf32>
      %mul3A_449 = vector.broadcast %slice3A_448 : vector<256x1xf32> to vector<256x768xf32>
      %mul3A_450 = arith.mulf %mul3A_449, %convert_element_type3A_440 : vector<256x768xf32>
      %add3A_451 = arith.addf %add3A_447, %mul3A_450 : vector<256x768xf32>
      %swap3A_452 = arith.constant 512 : index
      %swap3A_453 = arith.constant 0 : index
      %swap3A_454 = vector.load %arg9[%swap3A_452, %swap3A_453] : memref<2048x768xf32, #tpu.memory_space<vmem>>, vector<256x768xf32>
      tpu.vector_store %arg9[%swap3A_452, %swap3A_453], %add3A_451 {strides = array<i32>} : memref<2048x768xf32, #tpu.memory_space<vmem>>, vector<256x768xf32>,
      %get3A_455 = arith.constant 768 : index
      %get3A_456 = arith.constant 0 : index
      %get3A_457 = vector.load %arg8[%get3A_455, %get3A_456] : memref<2048x2xf32, #tpu.memory_space<vmem>>, vector<256x2xf32>
      %get3A_458 = arith.constant 0 : index
      %get3A_459 = arith.constant 384 : index
      %get3A_460 = arith.constant 0 : index
      %get3A_461 = vector.load %arg10[%get3A_458, %get3A_459, %get3A_460] : memref<2x2048x768xbf16, #tpu.memory_space<vmem>>, vector<1x128x768xbf16>
      %get3A_462 = vector.shape_cast %get3A_461 : vector<1x128x768xbf16> to vector<128x768xbf16>
      %broadcast_in_dim3A_463 = vector.shape_cast %get3A_462 : vector<128x768xbf16> to vector<128x1x768xbf16>
      %get3A_464 = arith.constant 1 : index
      %get3A_465 = arith.constant 384 : index
      %get3A_466 = arith.constant 0 : index
      %get3A_467 = vector.load %arg10[%get3A_464, %get3A_465, %get3A_466] : memref<2x2048x768xbf16, #tpu.memory_space<vmem>>, vector<1x128x768xbf16>
      %get3A_468 = vector.shape_cast %get3A_467 : vector<1x128x768xbf16> to vector<128x768xbf16>
      %broadcast_in_dim3A_469 = vector.shape_cast %get3A_468 : vector<128x768xbf16> to vector<128x1x768xbf16>
      %concatenate3A_470 = tpu.concatenate %broadcast_in_dim3A_463, %broadcast_in_dim3A_469 in 1 : vector<128x1x768xbf16>, vector<128x1x768xbf16> -> vector<128x2x768xbf16>
      %reshape3A_471 = vector.shape_cast %concatenate3A_470 : vector<128x2x768xbf16> to vector<256x768xbf16>
      %convert_element_type3A_472 = arith.extf %reshape3A_471 : vector<256x768xbf16> to vector<256x768xf32>
      %get3A_473 = arith.constant 0 : index
      %get3A_474 = arith.constant 1408 : index
      %get3A_475 = arith.constant 0 : index
      %get3A_476 = vector.load %arg10[%get3A_473, %get3A_474, %get3A_475] : memref<2x2048x768xbf16, #tpu.memory_space<vmem>>, vector<1x128x768xbf16>
      %get3A_477 = vector.shape_cast %get3A_476 : vector<1x128x768xbf16> to vector<128x768xbf16>
      %broadcast_in_dim3A_478 = vector.shape_cast %get3A_477 : vector<128x768xbf16> to vector<128x1x768xbf16>
      %get3A_479 = arith.constant 1 : index
      %get3A_480 = arith.constant 1408 : index
      %get3A_481 = arith.constant 0 : index
      %get3A_482 = vector.load %arg10[%get3A_479, %get3A_480, %get3A_481] : memref<2x2048x768xbf16, #tpu.memory_space<vmem>>, vector<1x128x768xbf16>
      %get3A_483 = vector.shape_cast %get3A_482 : vector<1x128x768xbf16> to vector<128x768xbf16>
      %broadcast_in_dim3A_484 = vector.shape_cast %get3A_483 : vector<128x768xbf16> to vector<128x1x768xbf16>
      %concatenate3A_485 = tpu.concatenate %broadcast_in_dim3A_478, %broadcast_in_dim3A_484 in 1 : vector<128x1x768xbf16>, vector<128x1x768xbf16> -> vector<128x2x768xbf16>
      %reshape3A_486 = vector.shape_cast %concatenate3A_485 : vector<128x2x768xbf16> to vector<256x768xbf16>
      %convert_element_type3A_487 = arith.extf %reshape3A_486 : vector<256x768xbf16> to vector<256x768xf32>
      %get3A_488 = arith.constant 768 : index
      %get3A_489 = arith.constant 0 : index
      %get3A_490 = vector.load %arg7[%get3A_488, %get3A_489] : memref<2048x768xf32, #tpu.memory_space<vmem>>, vector<256x768xf32>
      %slice3A_491 = vector.extract_strided_slice %get3A_457 {offsets = [0, 0], sizes = [256, 1], strides = [1, 1]} : vector<256x2xf32> to vector<256x1xf32>
      %mul3A_492 = vector.broadcast %slice3A_491 : vector<256x1xf32> to vector<256x768xf32>
      %mul3A_493 = arith.mulf %mul3A_492, %convert_element_type3A_472 : vector<256x768xf32>
      %add3A_494 = arith.addf %get3A_490, %mul3A_493 : vector<256x768xf32>
      %slice3A_495 = vector.extract_strided_slice %get3A_457 {offsets = [0, 1], sizes = [256, 1], strides = [1, 1]} : vector<256x2xf32> to vector<256x1xf32>
      %mul3A_496 = vector.broadcast %slice3A_495 : vector<256x1xf32> to vector<256x768xf32>
      %mul3A_497 = arith.mulf %mul3A_496, %convert_element_type3A_487 : vector<256x768xf32>
      %add3A_498 = arith.addf %add3A_494, %mul3A_497 : vector<256x768xf32>
      %swap3A_499 = arith.constant 768 : index
      %swap3A_500 = arith.constant 0 : index
      %swap3A_501 = vector.load %arg9[%swap3A_499, %swap3A_500] : memref<2048x768xf32, #tpu.memory_space<vmem>>, vector<256x768xf32>
      tpu.vector_store %arg9[%swap3A_499, %swap3A_500], %add3A_498 {strides = array<i32>} : memref<2048x768xf32, #tpu.memory_space<vmem>>, vector<256x768xf32>,
      %get3A_502 = arith.constant 1024 : index
      %get3A_503 = arith.constant 0 : index
      %get3A_504 = vector.load %arg8[%get3A_502, %get3A_503] : memref<2048x2xf32, #tpu.memory_space<vmem>>, vector<256x2xf32>
      %get3A_505 = arith.constant 0 : index
      %get3A_506 = arith.constant 512 : index
      %get3A_507 = arith.constant 0 : index
      %get3A_508 = vector.load %arg10[%get3A_505, %get3A_506, %get3A_507] : memref<2x2048x768xbf16, #tpu.memory_space<vmem>>, vector<1x128x768xbf16>
      %get3A_509 = vector.shape_cast %get3A_508 : vector<1x128x768xbf16> to vector<128x768xbf16>
      %broadcast_in_dim3A_510 = vector.shape_cast %get3A_509 : vector<128x768xbf16> to vector<128x1x768xbf16>
      %get3A_511 = arith.constant 1 : index
      %get3A_512 = arith.constant 512 : index
      %get3A_513 = arith.constant 0 : index
      %get3A_514 = vector.load %arg10[%get3A_511, %get3A_512, %get3A_513] : memref<2x2048x768xbf16, #tpu.memory_space<vmem>>, vector<1x128x768xbf16>
      %get3A_515 = vector.shape_cast %get3A_514 : vector<1x128x768xbf16> to vector<128x768xbf16>
      %broadcast_in_dim3A_516 = vector.shape_cast %get3A_515 : vector<128x768xbf16> to vector<128x1x768xbf16>
      %concatenate3A_517 = tpu.concatenate %broadcast_in_dim3A_510, %broadcast_in_dim3A_516 in 1 : vector<128x1x768xbf16>, vector<128x1x768xbf16> -> vector<128x2x768xbf16>
      %reshape3A_518 = vector.shape_cast %concatenate3A_517 : vector<128x2x768xbf16> to vector<256x768xbf16>
      %convert_element_type3A_519 = arith.extf %reshape3A_518 : vector<256x768xbf16> to vector<256x768xf32>
      %get3A_520 = arith.constant 0 : index
      %get3A_521 = arith.constant 1536 : index
      %get3A_522 = arith.constant 0 : index
      %get3A_523 = vector.load %arg10[%get3A_520, %get3A_521, %get3A_522] : memref<2x2048x768xbf16, #tpu.memory_space<vmem>>, vector<1x128x768xbf16>
      %get3A_524 = vector.shape_cast %get3A_523 : vector<1x128x768xbf16> to vector<128x768xbf16>
      %broadcast_in_dim3A_525 = vector.shape_cast %get3A_524 : vector<128x768xbf16> to vector<128x1x768xbf16>
      %get3A_526 = arith.constant 1 : index
      %get3A_527 = arith.constant 1536 : index
      %get3A_528 = arith.constant 0 : index
      %get3A_529 = vector.load %arg10[%get3A_526, %get3A_527, %get3A_528] : memref<2x2048x768xbf16, #tpu.memory_space<vmem>>, vector<1x128x768xbf16>
      %get3A_530 = vector.shape_cast %get3A_529 : vector<1x128x768xbf16> to vector<128x768xbf16>
      %broadcast_in_dim3A_531 = vector.shape_cast %get3A_530 : vector<128x768xbf16> to vector<128x1x768xbf16>
      %concatenate3A_532 = tpu.concatenate %broadcast_in_dim3A_525, %broadcast_in_dim3A_531 in 1 : vector<128x1x768xbf16>, vector<128x1x768xbf16> -> vector<128x2x768xbf16>
      %reshape3A_533 = vector.shape_cast %concatenate3A_532 : vector<128x2x768xbf16> to vector<256x768xbf16>
      %convert_element_type3A_534 = arith.extf %reshape3A_533 : vector<256x768xbf16> to vector<256x768xf32>
      %get3A_535 = arith.constant 1024 : index
      %get3A_536 = arith.constant 0 : index
      %get3A_537 = vector.load %arg7[%get3A_535, %get3A_536] : memref<2048x768xf32, #tpu.memory_space<vmem>>, vector<256x768xf32>
      %slice3A_538 = vector.extract_strided_slice %get3A_504 {offsets = [0, 0], sizes = [256, 1], strides = [1, 1]} : vector<256x2xf32> to vector<256x1xf32>
      %mul3A_539 = vector.broadcast %slice3A_538 : vector<256x1xf32> to vector<256x768xf32>
      %mul3A_540 = arith.mulf %mul3A_539, %convert_element_type3A_519 : vector<256x768xf32>
      %add3A_541 = arith.addf %get3A_537, %mul3A_540 : vector<256x768xf32>
      %slice3A_542 = vector.extract_strided_slice %get3A_504 {offsets = [0, 1], sizes = [256, 1], strides = [1, 1]} : vector<256x2xf32> to vector<256x1xf32>
      %mul3A_543 = vector.broadcast %slice3A_542 : vector<256x1xf32> to vector<256x768xf32>
      %mul3A_544 = arith.mulf %mul3A_543, %convert_element_type3A_534 : vector<256x768xf32>
      %add3A_545 = arith.addf %add3A_541, %mul3A_544 : vector<256x768xf32>
      %swap3A_546 = arith.constant 1024 : index
      %swap3A_547 = arith.constant 0 : index
      %swap3A_548 = vector.load %arg9[%swap3A_546, %swap3A_547] : memref<2048x768xf32, #tpu.memory_space<vmem>>, vector<256x768xf32>
      tpu.vector_store %arg9[%swap3A_546, %swap3A_547], %add3A_545 {strides = array<i32>} : memref<2048x768xf32, #tpu.memory_space<vmem>>, vector<256x768xf32>,
      %get3A_549 = arith.constant 1280 : index
      %get3A_550 = arith.constant 0 : index
      %get3A_551 = vector.load %arg8[%get3A_549, %get3A_550] : memref<2048x2xf32, #tpu.memory_space<vmem>>, vector<256x2xf32>
      %get3A_552 = arith.constant 0 : index
      %get3A_553 = arith.constant 640 : index
      %get3A_554 = arith.constant 0 : index
      %get3A_555 = vector.load %arg10[%get3A_552, %get3A_553, %get3A_554] : memref<2x2048x768xbf16, #tpu.memory_space<vmem>>, vector<1x128x768xbf16>
      %get3A_556 = vector.shape_cast %get3A_555 : vector<1x128x768xbf16> to vector<128x768xbf16>
      %broadcast_in_dim3A_557 = vector.shape_cast %get3A_556 : vector<128x768xbf16> to vector<128x1x768xbf16>
      %get3A_558 = arith.constant 1 : index
      %get3A_559 = arith.constant 640 : index
      %get3A_560 = arith.constant 0 : index
      %get3A_561 = vector.load %arg10[%get3A_558, %get3A_559, %get3A_560] : memref<2x2048x768xbf16, #tpu.memory_space<vmem>>, vector<1x128x768xbf16>
      %get3A_562 = vector.shape_cast %get3A_561 : vector<1x128x768xbf16> to vector<128x768xbf16>
      %broadcast_in_dim3A_563 = vector.shape_cast %get3A_562 : vector<128x768xbf16> to vector<128x1x768xbf16>
      %concatenate3A_564 = tpu.concatenate %broadcast_in_dim3A_557, %broadcast_in_dim3A_563 in 1 : vector<128x1x768xbf16>, vector<128x1x768xbf16> -> vector<128x2x768xbf16>
      %reshape3A_565 = vector.shape_cast %concatenate3A_564 : vector<128x2x768xbf16> to vector<256x768xbf16>
      %convert_element_type3A_566 = arith.extf %reshape3A_565 : vector<256x768xbf16> to vector<256x768xf32>
      %get3A_567 = arith.constant 0 : index
      %get3A_568 = arith.constant 1664 : index
      %get3A_569 = arith.constant 0 : index
      %get3A_570 = vector.load %arg10[%get3A_567, %get3A_568, %get3A_569] : memref<2x2048x768xbf16, #tpu.memory_space<vmem>>, vector<1x128x768xbf16>
      %get3A_571 = vector.shape_cast %get3A_570 : vector<1x128x768xbf16> to vector<128x768xbf16>
      %broadcast_in_dim3A_572 = vector.shape_cast %get3A_571 : vector<128x768xbf16> to vector<128x1x768xbf16>
      %get3A_573 = arith.constant 1 : index
      %get3A_574 = arith.constant 1664 : index
      %get3A_575 = arith.constant 0 : index
      %get3A_576 = vector.load %arg10[%get3A_573, %get3A_574, %get3A_575] : memref<2x2048x768xbf16, #tpu.memory_space<vmem>>, vector<1x128x768xbf16>
      %get3A_577 = vector.shape_cast %get3A_576 : vector<1x128x768xbf16> to vector<128x768xbf16>
      %broadcast_in_dim3A_578 = vector.shape_cast %get3A_577 : vector<128x768xbf16> to vector<128x1x768xbf16>
      %concatenate3A_579 = tpu.concatenate %broadcast_in_dim3A_572, %broadcast_in_dim3A_578 in 1 : vector<128x1x768xbf16>, vector<128x1x768xbf16> -> vector<128x2x768xbf16>
      %reshape3A_580 = vector.shape_cast %concatenate3A_579 : vector<128x2x768xbf16> to vector<256x768xbf16>
      %convert_element_type3A_581 = arith.extf %reshape3A_580 : vector<256x768xbf16> to vector<256x768xf32>
      %get3A_582 = arith.constant 1280 : index
      %get3A_583 = arith.constant 0 : index
      %get3A_584 = vector.load %arg7[%get3A_582, %get3A_583] : memref<2048x768xf32, #tpu.memory_space<vmem>>, vector<256x768xf32>
      %slice3A_585 = vector.extract_strided_slice %get3A_551 {offsets = [0, 0], sizes = [256, 1], strides = [1, 1]} : vector<256x2xf32> to vector<256x1xf32>
      %mul3A_586 = vector.broadcast %slice3A_585 : vector<256x1xf32> to vector<256x768xf32>
      %mul3A_587 = arith.mulf %mul3A_586, %convert_element_type3A_566 : vector<256x768xf32>
      %add3A_588 = arith.addf %get3A_584, %mul3A_587 : vector<256x768xf32>
      %slice3A_589 = vector.extract_strided_slice %get3A_551 {offsets = [0, 1], sizes = [256, 1], strides = [1, 1]} : vector<256x2xf32> to vector<256x1xf32>
      %mul3A_590 = vector.broadcast %slice3A_589 : vector<256x1xf32> to vector<256x768xf32>
      %mul3A_591 = arith.mulf %mul3A_590, %convert_element_type3A_581 : vector<256x768xf32>
      %add3A_592 = arith.addf %add3A_588, %mul3A_591 : vector<256x768xf32>
      %swap3A_593 = arith.constant 1280 : index
      %swap3A_594 = arith.constant 0 : index
      %swap3A_595 = vector.load %arg9[%swap3A_593, %swap3A_594] : memref<2048x768xf32, #tpu.memory_space<vmem>>, vector<256x768xf32>
      tpu.vector_store %arg9[%swap3A_593, %swap3A_594], %add3A_592 {strides = array<i32>} : memref<2048x768xf32, #tpu.memory_space<vmem>>, vector<256x768xf32>,
      %get3A_596 = arith.constant 1536 : index
      %get3A_597 = arith.constant 0 : index
      %get3A_598 = vector.load %arg8[%get3A_596, %get3A_597] : memref<2048x2xf32, #tpu.memory_space<vmem>>, vector<256x2xf32>
      %get3A_599 = arith.constant 0 : index
      %get3A_600 = arith.constant 768 : index
      %get3A_601 = arith.constant 0 : index
      %get3A_602 = vector.load %arg10[%get3A_599, %get3A_600, %get3A_601] : memref<2x2048x768xbf16, #tpu.memory_space<vmem>>, vector<1x128x768xbf16>
      %get3A_603 = vector.shape_cast %get3A_602 : vector<1x128x768xbf16> to vector<128x768xbf16>
      %broadcast_in_dim3A_604 = vector.shape_cast %get3A_603 : vector<128x768xbf16> to vector<128x1x768xbf16>
      %get3A_605 = arith.constant 1 : index
      %get3A_606 = arith.constant 768 : index
      %get3A_607 = arith.constant 0 : index
      %get3A_608 = vector.load %arg10[%get3A_605, %get3A_606, %get3A_607] : memref<2x2048x768xbf16, #tpu.memory_space<vmem>>, vector<1x128x768xbf16>
      %get3A_609 = vector.shape_cast %get3A_608 : vector<1x128x768xbf16> to vector<128x768xbf16>
      %broadcast_in_dim3A_610 = vector.shape_cast %get3A_609 : vector<128x768xbf16> to vector<128x1x768xbf16>
      %concatenate3A_611 = tpu.concatenate %broadcast_in_dim3A_604, %broadcast_in_dim3A_610 in 1 : vector<128x1x768xbf16>, vector<128x1x768xbf16> -> vector<128x2x768xbf16>
      %reshape3A_612 = vector.shape_cast %concatenate3A_611 : vector<128x2x768xbf16> to vector<256x768xbf16>
      %convert_element_type3A_613 = arith.extf %reshape3A_612 : vector<256x768xbf16> to vector<256x768xf32>
      %get3A_614 = arith.constant 0 : index
      %get3A_615 = arith.constant 1792 : index
      %get3A_616 = arith.constant 0 : index
      %get3A_617 = vector.load %arg10[%get3A_614, %get3A_615, %get3A_616] : memref<2x2048x768xbf16, #tpu.memory_space<vmem>>, vector<1x128x768xbf16>
      %get3A_618 = vector.shape_cast %get3A_617 : vector<1x128x768xbf16> to vector<128x768xbf16>
      %broadcast_in_dim3A_619 = vector.shape_cast %get3A_618 : vector<128x768xbf16> to vector<128x1x768xbf16>
      %get3A_620 = arith.constant 1 : index
      %get3A_621 = arith.constant 1792 : index
      %get3A_622 = arith.constant 0 : index
      %get3A_623 = vector.load %arg10[%get3A_620, %get3A_621, %get3A_622] : memref<2x2048x768xbf16, #tpu.memory_space<vmem>>, vector<1x128x768xbf16>
      %get3A_624 = vector.shape_cast %get3A_623 : vector<1x128x768xbf16> to vector<128x768xbf16>
      %broadcast_in_dim3A_625 = vector.shape_cast %get3A_624 : vector<128x768xbf16> to vector<128x1x768xbf16>
      %concatenate3A_626 = tpu.concatenate %broadcast_in_dim3A_619, %broadcast_in_dim3A_625 in 1 : vector<128x1x768xbf16>, vector<128x1x768xbf16> -> vector<128x2x768xbf16>
      %reshape3A_627 = vector.shape_cast %concatenate3A_626 : vector<128x2x768xbf16> to vector<256x768xbf16>
      %convert_element_type3A_628 = arith.extf %reshape3A_627 : vector<256x768xbf16> to vector<256x768xf32>
      %get3A_629 = arith.constant 1536 : index
      %get3A_630 = arith.constant 0 : index
      %get3A_631 = vector.load %arg7[%get3A_629, %get3A_630] : memref<2048x768xf32, #tpu.memory_space<vmem>>, vector<256x768xf32>
      %slice3A_632 = vector.extract_strided_slice %get3A_598 {offsets = [0, 0], sizes = [256, 1], strides = [1, 1]} : vector<256x2xf32> to vector<256x1xf32>
      %mul3A_633 = vector.broadcast %slice3A_632 : vector<256x1xf32> to vector<256x768xf32>
      %mul3A_634 = arith.mulf %mul3A_633, %convert_element_type3A_613 : vector<256x768xf32>
      %add3A_635 = arith.addf %get3A_631, %mul3A_634 : vector<256x768xf32>
      %slice3A_636 = vector.extract_strided_slice %get3A_598 {offsets = [0, 1], sizes = [256, 1], strides = [1, 1]} : vector<256x2xf32> to vector<256x1xf32>
      %mul3A_637 = vector.broadcast %slice3A_636 : vector<256x1xf32> to vector<256x768xf32>
      %mul3A_638 = arith.mulf %mul3A_637, %convert_element_type3A_628 : vector<256x768xf32>
      %add3A_639 = arith.addf %add3A_635, %mul3A_638 : vector<256x768xf32>
      %swap3A_640 = arith.constant 1536 : index
      %swap3A_641 = arith.constant 0 : index
      %swap3A_642 = vector.load %arg9[%swap3A_640, %swap3A_641] : memref<2048x768xf32, #tpu.memory_space<vmem>>, vector<256x768xf32>
      tpu.vector_store %arg9[%swap3A_640, %swap3A_641], %add3A_639 {strides = array<i32>} : memref<2048x768xf32, #tpu.memory_space<vmem>>, vector<256x768xf32>,
      %get3A_643 = arith.constant 1792 : index
      %get3A_644 = arith.constant 0 : index
      %get3A_645 = vector.load %arg8[%get3A_643, %get3A_644] : memref<2048x2xf32, #tpu.memory_space<vmem>>, vector<256x2xf32>
      %get3A_646 = arith.constant 0 : index
      %get3A_647 = arith.constant 896 : index
      %get3A_648 = arith.constant 0 : index
      %get3A_649 = vector.load %arg10[%get3A_646, %get3A_647, %get3A_648] : memref<2x2048x768xbf16, #tpu.memory_space<vmem>>, vector<1x128x768xbf16>
      %get3A_650 = vector.shape_cast %get3A_649 : vector<1x128x768xbf16> to vector<128x768xbf16>
      %broadcast_in_dim3A_651 = vector.shape_cast %get3A_650 : vector<128x768xbf16> to vector<128x1x768xbf16>
      %get3A_652 = arith.constant 1 : index
      %get3A_653 = arith.constant 896 : index
      %get3A_654 = arith.constant 0 : index
      %get3A_655 = vector.load %arg10[%get3A_652, %get3A_653, %get3A_654] : memref<2x2048x768xbf16, #tpu.memory_space<vmem>>, vector<1x128x768xbf16>
      %get3A_656 = vector.shape_cast %get3A_655 : vector<1x128x768xbf16> to vector<128x768xbf16>
      %broadcast_in_dim3A_657 = vector.shape_cast %get3A_656 : vector<128x768xbf16> to vector<128x1x768xbf16>
      %concatenate3A_658 = tpu.concatenate %broadcast_in_dim3A_651, %broadcast_in_dim3A_657 in 1 : vector<128x1x768xbf16>, vector<128x1x768xbf16> -> vector<128x2x768xbf16>
      %reshape3A_659 = vector.shape_cast %concatenate3A_658 : vector<128x2x768xbf16> to vector<256x768xbf16>
      %convert_element_type3A_660 = arith.extf %reshape3A_659 : vector<256x768xbf16> to vector<256x768xf32>
      %get3A_661 = arith.constant 0 : index
      %get3A_662 = arith.constant 1920 : index
      %get3A_663 = arith.constant 0 : index
      %get3A_664 = vector.load %arg10[%get3A_661, %get3A_662, %get3A_663] : memref<2x2048x768xbf16, #tpu.memory_space<vmem>>, vector<1x128x768xbf16>
      %get3A_665 = vector.shape_cast %get3A_664 : vector<1x128x768xbf16> to vector<128x768xbf16>
      %broadcast_in_dim3A_666 = vector.shape_cast %get3A_665 : vector<128x768xbf16> to vector<128x1x768xbf16>
      %get3A_667 = arith.constant 1 : index
      %get3A_668 = arith.constant 1920 : index
      %get3A_669 = arith.constant 0 : index
      %get3A_670 = vector.load %arg10[%get3A_667, %get3A_668, %get3A_669] : memref<2x2048x768xbf16, #tpu.memory_space<vmem>>, vector<1x128x768xbf16>
      %get3A_671 = vector.shape_cast %get3A_670 : vector<1x128x768xbf16> to vector<128x768xbf16>
      %broadcast_in_dim3A_672 = vector.shape_cast %get3A_671 : vector<128x768xbf16> to vector<128x1x768xbf16>
      %concatenate3A_673 = tpu.concatenate %broadcast_in_dim3A_666, %broadcast_in_dim3A_672 in 1 : vector<128x1x768xbf16>, vector<128x1x768xbf16> -> vector<128x2x768xbf16>
      %reshape3A_674 = vector.shape_cast %concatenate3A_673 : vector<128x2x768xbf16> to vector<256x768xbf16>
      %convert_element_type3A_675 = arith.extf %reshape3A_674 : vector<256x768xbf16> to vector<256x768xf32>
      %get3A_676 = arith.constant 1792 : index
      %get3A_677 = arith.constant 0 : index
      %get3A_678 = vector.load %arg7[%get3A_676, %get3A_677] : memref<2048x768xf32, #tpu.memory_space<vmem>>, vector<256x768xf32>
      %slice3A_679 = vector.extract_strided_slice %get3A_645 {offsets = [0, 0], sizes = [256, 1], strides = [1, 1]} : vector<256x2xf32> to vector<256x1xf32>
      %mul3A_680 = vector.broadcast %slice3A_679 : vector<256x1xf32> to vector<256x768xf32>
      %mul3A_681 = arith.mulf %mul3A_680, %convert_element_type3A_660 : vector<256x768xf32>
      %add3A_682 = arith.addf %get3A_678, %mul3A_681 : vector<256x768xf32>
      %slice3A_683 = vector.extract_strided_slice %get3A_645 {offsets = [0, 1], sizes = [256, 1], strides = [1, 1]} : vector<256x2xf32> to vector<256x1xf32>
      %mul3A_684 = vector.broadcast %slice3A_683 : vector<256x1xf32> to vector<256x768xf32>
      %mul3A_685 = arith.mulf %mul3A_684, %convert_element_type3A_675 : vector<256x768xf32>
      %add3A_686 = arith.addf %add3A_682, %mul3A_685 : vector<256x768xf32>
      %swap3A_687 = arith.constant 1792 : index
      %swap3A_688 = arith.constant 0 : index
      %swap3A_689 = vector.load %arg9[%swap3A_687, %swap3A_688] : memref<2048x768xf32, #tpu.memory_space<vmem>>, vector<256x768xf32>
      tpu.vector_store %arg9[%swap3A_687, %swap3A_688], %add3A_686 {strides = array<i32>} : memref<2048x768xf32, #tpu.memory_space<vmem>>, vector<256x768xf32>,
    } else {
    }
    return
  }
  func.func @transform_0(%arg0: i32) -> (i32, i32) {
    %c0_i32 = arith.constant 0 : i32
    %c0_i32_0 = arith.constant 0 : i32
    %c0_i32_1 = arith.constant 0 : i32
    return %c0_i32, %c0_i32_0 : i32, i32
  }
  func.func @transform_1(%arg0: i32) -> (i32, i32, i32) {
    %c0_i32 = arith.constant 0 : i32
    %c0_i32_0 = arith.constant 0 : i32
    %c0_i32_1 = arith.constant 0 : i32
    return %arg0, %c0_i32, %c0_i32_0 : i32, i32, i32
  }
  func.func @transform_2(%arg0: i32) -> (i32, i32, i32) {
    %c0_i32 = arith.constant 0 : i32
    %c0_i32_0 = arith.constant 0 : i32
    %c0_i32_1 = arith.constant 0 : i32
    return %arg0, %c0_i32, %c0_i32_0 : i32, i32, i32
  }
  func.func @transform_3(%arg0: i32) -> (i32, i32, i32) {
    %c0_i32 = arith.constant 0 : i32
    %c0_i32_0 = arith.constant 0 : i32
    %c0_i32_1 = arith.constant 0 : i32
    return %arg0, %c0_i32, %c0_i32_0 : i32, i32, i32
  }
  func.func @transform_4(%arg0: i32) -> (i32, i32, i32) {
    %c0_i32 = arith.constant 0 : i32
    %c0_i32_0 = arith.constant 0 : i32
    %c0_i32_1 = arith.constant 0 : i32
    return %arg0, %c0_i32, %c0_i32_0 : i32, i32, i32
  }
  func.func @transform_5(%arg0: i32) -> (i32, i32) {
    %c0_i32 = arith.constant 0 : i32
    %c0_i32_0 = arith.constant 0 : i32
    %c0_i32_1 = arith.constant 0 : i32
    return %c0_i32, %c0_i32_0 : i32, i32
  }
  func.func @transform_6(%arg0: i32) -> (i32, i32) {
    %c0_i32 = arith.constant 0 : i32
    %c0_i32_0 = arith.constant 0 : i32
    %c0_i32_1 = arith.constant 0 : i32
    return %c0_i32, %c0_i32_0 : i32, i32
  }
  func.func @transform_7(%arg0: i32) -> (i32, i32) {
    %c0_i32 = arith.constant 0 : i32
    %c0_i32_0 = arith.constant 0 : i32
    %c0_i32_1 = arith.constant 0 : i32
    return %c0_i32, %c0_i32_0 : i32, i32
  }
  func.func @transform_8(%arg0: i32) -> (i32, i32) {
    %c0_i32 = arith.constant 0 : i32
    %c0_i32_0 = arith.constant 0 : i32
    %c0_i32_1 = arith.constant 0 : i32
    return %c0_i32, %c0_i32_0 : i32, i32
  }
}

</mosaic_0001>

<sc_bundles>
// kernel: kernel.7.cloned.1.call-start
scs
__scs_entry_jumppad:
0x0: {  	(pc) =	sbr.rel $0x88, $3  }
0x1: {  	(tag) =	ssettag $0x0;
	lr =	simm.s32 $0x1  }
0x2: {  	[smem:$0x3F95] =	sst lr;
	_ =	strace $0xD0000000  }
0x3: {  	_ = 	snop  }
0x4: {  	_ = 	snop  }
0x5: {  	_ = 	snop  }
0x6: {  	_ = 	snop  }
0x7: {  	_ = 	snop  }
__scs_overlays_trampoline_lowered:
0x8: {  	[smem:$0x3FA4] =	sst s0  }
0x9: {  	[smem:$0x3FA5] =	sst s1  }
0xa: {  	[smem:$0x3FA6] =	sst s2  }
0xb: {  	[smem:$0x3FA7] =	sst s3  }
0xc: {  	[smem:$0x3FA8] =	sst s4  }
0xd: {  	[smem:$0x3FA9] =	sst s5  }
0xe: {  	[smem:$0x3FAA] =	sst s6  }
0xf: {  	[smem:$0x3FAB] =	sst s7  }
0x10: {  	[smem:$0x3FAC] =	sst s8  }
0x11: {  	[smem:$0x3FAD] =	sst s9;
	s0 =	simm.s32 @!p0 $0x0  }
0x12: {  	s1 =	sld [smem:$0x3F93];
	s0 =	simm.s32 @p0 $0x1  }
0x13: {  	[smem:$0x3FAE] =	sst s0;
	s0 =	simm.s32 @!p1 $0x0  }
0x14: {  	s2 =	sld [smem:$0x3F92];
	s0 =	simm.s32 @p1 $0x1  }
0x15: {  	[smem:$0x3FAF] =	sst s0;
	s0 =	simm.s32 @!p2 $0x0  }
0x16: {  	s3 =	sld [smem:$0x3FDB];
	s0 =	simm.s32 @p2 $0x1  }
0x17: {  	s4 =	simm.s32 $0x1BF5;
	[smem:$0x3FB1] =	sst s0  }
0x18: {  	s0 =	sld [smem:$0x3F94];
	_ =	swait.ge [sflag:s4], $0x0  }
0x19: {  	s7 =	sld [smem:$0x3F95]  }
0x1a: {  	s8 =	sadd.s32 $0xFFFFE003, lr  }
0x1b: {  	s9 =	sadd.s32 $0xFFFFFEF7, lr;
	s5 =	simm.s32 $0xFFFFFFFF;
	p2 =	slt.u32 s8, $0xFFFFF086  }
0x1c: {  	p1 =	slt.u32 s9, $0xF7A;
	s5 =	simm.s32 @!p2 $0x0  }
0x1d: {  	s5 =	simm.s32 @p1 $0x1;
	p0 =	seq.s32 s7, s2  }
0x1e: {  	s7 =	smul.u32 @!p0 $0xF7A, s2;
	p2 =	seq.s32 @!p0 s5, $0x0  }
0x1f: {  	s9 =	smul.u32 $0xF7A, s1;
	s8 =	simm.s32 @!p0 $0x1BF5;
	p2 =	por !p2, p0  }
0x20: {  	[sflag:s8] =	ssyncset.s32 @!p0 $0xFFFFF086;
	s6 =	sadd.s32 @!p0 s3, s7;
	s7 =	simm.s32 @!p0 $0x108  }
0x21: {  	s3 =	sadd.s32 s3, s9;
	s6 =	sadd.s32 @!p0 $0x88, s6;
	s7 =	simm.s32 @p2 $0x1082  }
0x22: {  	[simem:s7], [sflag:s8] =	dma.local @!p0 [hbm:s6], $0xF7A  }
0x23: {  	s9 =	sor.u32 $0xD0000000, s2;
	s6 =	simm.s32 $0x108;
	_ =	swait.ge @!p0 [sflag:s8], $0x0  }
0x24: {  	s3 =	sadd.s32 $0x88, s3;
	s6 =	simm.s32 @!p1 $0x1082;
	[sflag:s4] =	ssyncset.s32 $0xFFFFF086  }
0x25: {  	[simem:s6], [sflag:s4] =	dma.local [hbm:s3], $0xF7A  }
0x26: {  	[smem:$0x3F95] =	sst s1;
	(tag) =	ssettag s2;
	_ =	strace s9  }
0x27: {  	s1 =	sld [smem:$0x3FA5]  }
0x28: {  	s2 =	sld [smem:$0x3FA6]  }
0x29: {  	s4 =	sld [smem:$0x3FA8]  }
0x2a: {  	p0 =	seq.s32 s5, $0x0;
	s5 =	sld [smem:$0x3FA9]  }
0x2b: {  	s6 =	sld [smem:$0x3FAA]  }
0x2c: {  	s7 =	sld [smem:$0x3FAB]  }
0x2d: {  	s3 =	simm.s32 $0x108;
	s8 =	sld [smem:$0x3FAC]  }
0x2e: {  	s3 =	simm.s32 @!p0 $0x1082;
	s9 =	sld [smem:$0x3FAD]  }
0x2f: {  	lr =	sadd.s32 s0, s3;
	s0 =	sld [smem:$0x3FA4]  }
0x30: {  	s3 =	sld [smem:$0x3FA7]  }
0x31: {  	[smem:$0x3FB0] =	sst s10  }
0x32: {  	s10 =	sld [smem:$0x3FAE];
	_ =	sdelay $0x3  }
0x33: {  	p0 =	seq.s32 s10, $0x1;
	s10 =	sld [smem:$0x3FB0];
	_ =	sdelay $0x3  }
0x34: {  	[smem:$0x3FB0] =	sst s10  }
0x35: {  	s10 =	sld [smem:$0x3FAF];
	_ =	sdelay $0x3  }
0x36: {  	p1 =	seq.s32 s10, $0x1;
	s10 =	sld [smem:$0x3FB0];
	_ =	sdelay $0x3  }
0x37: {  	[smem:$0x3FB0] =	sst s10  }
0x38: {  	s10 =	sld [smem:$0x3FB1]  }
0x39: {  	_ = 	snop;
	(pc) =	sbr.ind lr, $3  }
0x3a: {  	_ = 	snop  }
0x3b: {  	_ = 	snop  }
0x3c: {  	p2 =	seq.s32 s10, $0x1;
	s10 =	sld [smem:$0x3FB0]  }
0x3d: {  	_ =	shalt  }
0x3e: {  	_ =	shalt  }
0x3f: {  	_ =	shalt  }
0x40: {  	_ =	shalt  }
0x41: {  	_ =	shalt  }
0x42: {  	_ =	shalt  }
0x43: {  	_ =	shalt  }
0x44: {  	_ =	shalt  }
0x45: {  	_ =	shalt  }
0x46: {  	_ =	shalt  }
0x47: {  	_ =	shalt  }
0x48: {  	_ =	shalt  }
0x49: {  	_ =	shalt  }
0x4a: {  	_ =	shalt  }
0x4b: {  	_ =	shalt  }
0x4c: {  	_ =	shalt  }
0x4d: {  	_ =	shalt  }
0x4e: {  	_ =	shalt  }
0x4f: {  	_ =	shalt  }
0x50: {  	_ =	shalt  }
0x51: {  	_ =	shalt  }
0x52: {  	_ =	shalt  }
0x53: {  	_ =	shalt  }
0x54: {  	_ =	shalt  }
0x55: {  	_ =	shalt  }
0x56: {  	_ =	shalt  }
0x57: {  	_ =	shalt  }
0x58: {  	_ =	shalt  }
0x59: {  	_ =	shalt  }
0x5a: {  	_ =	shalt  }
0x5b: {  	_ =	shalt  }
0x5c: {  	_ =	shalt  }
0x5d: {  	_ =	shalt  }
0x5e: {  	_ =	shalt  }
0x5f: {  	_ =	shalt  }
0x60: {  	_ =	shalt  }
0x61: {  	_ =	shalt  }
0x62: {  	_ =	shalt  }
0x63: {  	_ =	shalt  }
0x64: {  	_ =	shalt  }
0x65: {  	_ =	shalt  }
0x66: {  	_ =	shalt  }
0x67: {  	_ =	shalt  }
0x68: {  	_ =	shalt  }
0x69: {  	_ =	shalt  }
0x6a: {  	_ =	shalt  }
0x6b: {  	_ =	shalt  }
0x6c: {  	_ =	shalt  }
0x6d: {  	_ =	shalt  }
0x6e: {  	_ =	shalt  }
0x6f: {  	_ =	shalt  }
0x70: {  	_ =	shalt  }
0x71: {  	_ =	shalt  }
0x72: {  	_ =	shalt  }
0x73: {  	_ =	shalt  }
0x74: {  	_ =	shalt  }
0x75: {  	_ =	shalt  }
0x76: {  	_ =	shalt  }
0x77: {  	_ =	shalt  }
0x78: {  	_ =	shalt  }
0x79: {  	_ =	shalt  }
0x7a: {  	_ =	shalt  }
0x7b: {  	_ =	shalt  }
0x7c: {  	_ =	shalt  }
0x7d: {  	_ =	shalt  }
0x7e: {  	_ =	shalt  }
0x7f: {  	_ =	shalt  }
0x80: {  	_ =	shalt  }
0x81: {  	_ =	shalt  }
0x82: {  	_ =	shalt  }
0x83: {  	_ =	shalt  }
0x84: {  	_ =	shalt  }
0x85: {  	_ =	shalt  }
0x86: {  	_ =	shalt  }
0x87: {  	_ =	shalt  }
.Lfunc_end0:
.L_simem_size_0:
called_computation_lowered:
.L_overlay_start_0:
0x88: {  	s2 =	sld [smem:$0x3FD9]  }
0x89: {  	s3 =	sld [smem:$0x3FFE];
	_ =	sdelay $0x1  }
0x8a: {  	s1 =	srdreg.scid  }
0x8b: {  	s0 =	sand.u32 $0x1, s1  }
0x8c: {  	s26 =	sshll.u32 s0, $0xA;
	s2 =	sadd.s32 s3, s2  }
0x8d: {  	s2 =	sadd.s32 s2, s26  }
0x8e: {  	[smem:$0x3FBC] =	sst s2  }
0x8f: {  	_ = 	snop  }
0x90: {  	s2 =	sld [smem:$0x3FD0];
	_ =	sdelay $0x2  }
0x91: {  	s28 =	simm.s32 $0xA;
	s4 =	simm.s32 $0x1190  }
0x92: {  	[smem:s4], [sflag:s28] =	dma.local [hbm:s2], $0x1  }
0x93: {  	_ =	swait.eq [sflag:s28], $0x1  }
0x94: {  	[sflag:s28] =	ssyncset.done $0x0  }
0x95: {  	s2 =	sld [smem:$0x1191];
	[sflag:s28] =	ssyncadd.s32 $0xFFFFFFFF  }
0x96: {  	s3 =	sld [smem:$0x1192];
	(tm) =	ssettm $0x1  }
0x97: {  	s29 =	sld [smem:$0x3FFB];
	_ =	sdelay $0x3  }
0x98: {  	_ =	strace s29  }
0x99: {  	s4 =	sld [smem:$0x3FFC];
	_ =	sdelay $0x3  }
0x9a: {  	_ =	strace s4  }
0x9b: {  	s4 =	sld [smem:$0x3FFD];
	_ =	sdelay $0x3  }
0x9c: {  	_ =	strace s4  }
0x9d: {  	s30 =	simm.s32 $0x1B8B;
	_ =	strace $0x8FFFFFFF  }
0x9e: {  	p0 =	seq.s32 s0, $0x1;
	_ =	swait.ge [sflag:s30], $0x1  }
.Ltmp0:
0x9f: {  	[sflag:s30] =	ssyncset.done $0x0;
	(pc) =	sbr.rel @p0 .LBB1_4-.Ltmp0, $3  }
0xa0: {  	s31 =	simm.s32 $0x1B8E;
	[sflag:s30] =	ssyncadd.s32 $0xFFFFFFFF  }
0xa1: {  	[smem:$0x3FD2] =	sst s31  }
0xa2: {  	s5 =	sld [smem:$0x3FFE];
	_ =	strace $0x80000046  }
0xa3: {  	_ =	sdelay $0x2  }
0xa4: {  	s4 =	simm.s32 $0x9;
	s7 =	simm.s32 $0x10;
	s6 =	sadd.s32 $0x5A400, s5  }
0xa5: {  	[smem:s7], [sflag:s4] =	dma.local [hbm:s6], $0x200  }
0xa6: {  	_ =	swait.ge [sflag:s4], $0x200  }
0xa7: {  	[sflag:s4] =	ssyncset.done $0x0  }
0xa8: {  	[sflag:s4] =	ssyncadd.s32 $0xFFFFFE00  }
0xa9: {  	s30 =	simm.s32 $0x1090;
	s29 =	sadd.s32 $0x5A200, s5  }
0xaa: {  	[smem:s30], [sflag:s4] =	dma.local [hbm:s29], $0x10  }
0xab: {  	_ =	swait.ge [sflag:s4], $0x10  }
0xac: {  	[sflag:s4] =	ssyncset.done $0x0  }
0xad: {  	s31 =	simm.s32 $0x0;
	[sflag:s4] =	ssyncadd.s32 $0xFFFFFFF0  }
0xae: {  	[smem:$0x1010] =	sst s31  }
0xaf: {  	[smem:$0x1011] =	sst s31  }
0xb0: {  	[smem:$0x1012] =	sst s31  }
0xb1: {  	[smem:$0x1013] =	sst s31  }
0xb2: {  	[smem:$0x1014] =	sst s31  }
0xb3: {  	[smem:$0x1015] =	sst s31  }
0xb4: {  	[smem:$0x1016] =	sst s31  }
0xb5: {  	[smem:$0x1017] =	sst s31  }
0xb6: {  	[smem:$0x1018] =	sst s31  }
0xb7: {  	[smem:$0x1019] =	sst s31  }
0xb8: {  	[smem:$0x101A] =	sst s31  }
0xb9: {  	[smem:$0x101B] =	sst s31  }
0xba: {  	[smem:$0x101C] =	sst s31  }
0xbb: {  	[smem:$0x101D] =	sst s31  }
0xbc: {  	[smem:$0x101E] =	sst s31  }
0xbd: {  	s5 =	simm.s32 $0x4;
	s6 =	simm.s32 $0x0;
	[smem:$0x101F] =	sst s31  }
.LBB1_2:
0xbe: {  	p0 =	sne.s32 s5, $0x3FFC;
	s6 =	sld [smem:s6+$0x10];
	_ =	sdelay $0x3  }
0xbf: {  	s7 =	sld [smem:s6+$0x1010];
	_ =	sdelay $0x2  }
.Ltmp1:
0xc0: {  	(pc) =	sbr.rel @p0 .LBB1_2-.Ltmp1, $3  }
0xc1: {  	s7 =	sadd.f32 $1.000000000e+00, s7  }
0xc2: {  	s8 =	sadd.s32 $0x1010, s6  }
0xc3: {  	s6 =	sshra.s32 s5, $0x2;
	s5 =	sadd.s32 $0x4, s5;
	[smem:s8] =	sst s7  }
0xc4: {  	s5 =	sld [smem:s6+$0x10];
	_ =	sdelay $0x3  }
0xc5: {  	s6 =	sld [smem:s5+$0x1010];
	_ =	sdelay $0x3  }
0xc6: {  	s6 =	sadd.f32 $1.000000000e+00, s6  }
0xc7: {  	s5 =	sadd.s32 $0x1010, s5  }
0xc8: {  	s14 =	simm.s32 $0x0;
	[smem:s5] =	sst s6  }
0xc9: {  	[smem:$0x1110] =	sst s14  }
0xca: {  	s5 =	sld [smem:$0x1010]  }
0xcb: {  	s6 =	sld [smem:$0x1090];
	_ =	sdelay $0x3  }
0xcc: {  	s5 =	smul.f32 s6, s5;
	_ =	sdelay $0x1  }
0xcd: {  	s5 =	sadd.f32 $0.0e+00, s5;
	_ =	sdelay $0x1  }
0xce: {  	[smem:$0x1110] =	sst s5  }
0xcf: {  	s15 =	sld [smem:$0x1011]  }
0xd0: {  	s7 =	sld [smem:$0x1091];
	_ =	sdelay $0x3  }
0xd1: {  	s6 =	smul.f32 s7, s15;
	_ =	sdelay $0x1  }
0xd2: {  	s5 =	sadd.f32 s6, s5;
	_ =	sdelay $0x1  }
0xd3: {  	[smem:$0x1110] =	sst s5  }
0xd4: {  	s16 =	sld [smem:$0x1012]  }
0xd5: {  	s17 =	sld [smem:$0x1092];
	_ =	sdelay $0x3  }
0xd6: {  	s6 =	smul.f32 s17, s16;
	_ =	sdelay $0x1  }
0xd7: {  	s5 =	sadd.f32 s6, s5;
	_ =	sdelay $0x1  }
0xd8: {  	[smem:$0x1110] =	sst s5  }
0xd9: {  	s18 =	sld [smem:$0x1013]  }
0xda: {  	s19 =	sld [smem:$0x1093];
	_ =	sdelay $0x3  }
0xdb: {  	s6 =	smul.f32 s19, s18;
	_ =	sdelay $0x1  }
0xdc: {  	s5 =	sadd.f32 s6, s5;
	_ =	sdelay $0x1  }
0xdd: {  	[smem:$0x1110] =	sst s5  }
0xde: {  	s20 =	sld [smem:$0x1014]  }
0xdf: {  	s21 =	sld [smem:$0x1094];
	_ =	sdelay $0x3  }
0xe0: {  	s6 =	smul.f32 s21, s20;
	_ =	sdelay $0x1  }
0xe1: {  	s5 =	sadd.f32 s6, s5;
	_ =	sdelay $0x1  }
0xe2: {  	[smem:$0x1110] =	sst s5  }
0xe3: {  	s22 =	sld [smem:$0x1015]  }
0xe4: {  	s23 =	sld [smem:$0x1095];
	_ =	sdelay $0x3  }
0xe5: {  	s6 =	smul.f32 s23, s22;
	_ =	sdelay $0x1  }
0xe6: {  	s5 =	sadd.f32 s6, s5;
	_ =	sdelay $0x1  }
0xe7: {  	[smem:$0x1110] =	sst s5  }
0xe8: {  	s24 =	sld [smem:$0x1016]  }
0xe9: {  	s25 =	sld [smem:$0x1096];
	_ =	sdelay $0x3  }
0xea: {  	s6 =	smul.f32 s25, s24;
	_ =	sdelay $0x1  }
0xeb: {  	s5 =	sadd.f32 s6, s5;
	_ =	sdelay $0x1  }
0xec: {  	[smem:$0x1110] =	sst s5  }
0xed: {  	s26 =	sld [smem:$0x1017]  }
0xee: {  	s28 =	sld [smem:$0x1097];
	_ =	sdelay $0x3  }
0xef: {  	s6 =	smul.f32 s28, s26;
	_ =	sdelay $0x1  }
0xf0: {  	s5 =	sadd.f32 s6, s5;
	_ =	sdelay $0x1  }
0xf1: {  	s5 =	smul.f32 $9.536743160e-07, s5;
	_ =	sdelay $0x1  }
0xf2: {  	s29 =	simm.s32 $0x1010;
	s30 =	simm.s32 $0x9;
	[smem:$0x1110] =	sst s5  }
0xf3: {  	[hbm:s3], [sflag:s4] =	dma.local [smem:s29], $0x10  }
0xf4: {  	_ =	swait.ge [sflag:s30], $0x10  }
0xf5: {  	[sflag:s30] =	ssyncset.done $0x0  }
0xf6: {  	[sflag:s30] =	ssyncadd.s32 $0xFFFFFFF0  }
0xf7: {  	s31 =	simm.s32 $0x1110  }
0xf8: {  	[hbm:s2], [sflag:s4] =	dma.local [smem:s31], $0x10  }
0xf9: {  	_ =	swait.ge [sflag:s30], $0x10  }
0xfa: {  	[sflag:s30] =	ssyncset.done $0x0  }
0xfb: {  	[sflag:s30] =	ssyncadd.s32 $0xFFFFFFF0  }
.LBB1_4:
0xfc: {  	_ =	strace $0x90000046  }
0xfd: {  	_ =	sfence  }
0xfe: {  	s2 =	sld [smem:$0x0];
	_ =	sdelay $0x2  }
0xff: {  	s3 =	sshll.u32 s1, $0xD;
	s31 =	sshrl.u32 s1, $0x2  }
0x100: {  	s3 =	sand.u32 $0x4000, s3;
	s1 =	sadd.s32 s31, s2  }
0x101: {  	s0 =	sor.u32 s3, s0;
	s1 =	sshll.u32 s1, $0x11  }
0x102: {  	s0 =	sor.u32 s1, s0  }
0x103: {  	s0 =	sadd.s32 $0x8F2B, s0;
	(pc) =	sbr.abs _section_cstart, $3  }
0x104: {  	[sflag:s0] =	ssyncadd.remote.s32 $0x1  }
0x105: {  	_ =	strace $0x9FFFFFFF  }
0x106: {  	(tm) =	ssettm $0x7FFFFFFF  }
0x107: {  	_ =	shalt  }

</sc_bundles>
